<compile_context>
chip_gen: v7x
topology: tpu7x:2x2x1
jax: 0.10.2.dev20260603
libtpu: 0.0.44.dev20260713+nightly
codegen_flags: <defaults>
</compile_context>

<pallas_src>
import functools

import jax
import jax.numpy as jnp
from jax import lax
from jax.experimental import pallas as pl
from jax.experimental.pallas import tpu as pltpu
from jax.experimental.pallas import tpu_sc as plsc

_BATCH = 4096
_SEQ = 200
_D = 64
_NC = 2
_NS = 16
_NW = _NC * _NS

_ROWS = _BATCH * _SEQ
_CHUNK_SEQ = 2
_CHUNK = _CHUNK_SEQ * _SEQ
_NCHUNKS = _ROWS // _CHUNK
_CPW = _NCHUNKS // _NW
_PAIRS = _CPW // 2
_PAD = 128
_SPLITS = ((0, 104), (104, 96))


def _body(idx_hbm, table_hbm, pos_hbm, out_hbm,
          idx_v, rows_v, pos_v, g0, g1, i0, i1, o0, o1):
    wid = lax.axis_index("s") * _NC + lax.axis_index("c")
    first = wid * _CPW

    for t in range(_CHUNK_SEQ):
        pltpu.sync_copy(pos_hbm, pos_v.at[pl.ds(t * _SEQ, _SEQ)])

    def start_idx(chunk, slot, sem):
        pltpu.async_copy(idx_hbm.at[pl.ds(chunk * _CHUNK_SEQ, _CHUNK_SEQ)],
                         idx_v.at[slot], sem)

    def wait_idx(slot, sem):
        pltpu.make_async_copy(idx_hbm.at[pl.ds(0, _CHUNK_SEQ)],
                              idx_v.at[slot], sem).wait()

    def start_gathers(slot, sem):
        for t in range(_CHUNK_SEQ):
            for off, num in _SPLITS:
                pltpu.async_copy(
                    table_hbm.at[idx_v.at[slot, t, pl.ds(off, num)]],
                    rows_v.at[slot, pl.ds(t * _SEQ + off, num)],
                    sem,
                )

    def wait_gathers(slot, sem):
        for t in range(_CHUNK_SEQ):
            for off, num in _SPLITS:
                pltpu.make_async_copy(
                    table_hbm.at[idx_v.at[slot, t, pl.ds(off, num)]],
                    rows_v.at[slot, pl.ds(t * _SEQ + off, num)],
                    sem,
                ).wait()

    def start_out(chunk, slot, sem):
        pltpu.async_copy(rows_v.at[slot],
                         out_hbm.at[pl.ds(chunk * _CHUNK, _CHUNK)], sem)

    def wait_out(slot, sem):
        pltpu.make_async_copy(rows_v.at[slot],
                              out_hbm.at[pl.ds(0, _CHUNK)], sem).wait()

    def add_pos(slot):
        def add_row(r, acc):
            for col in range(_D // 16):
                sl = pl.ds(col * 16, 16)
                plsc.addupdate(rows_v.at[slot, r, sl], pos_v[r, sl])
            return acc

        lax.fori_loop(0, _CHUNK, add_row, 0, unroll=4)

    pltpu.sync_copy(idx_hbm.at[pl.ds(first * _CHUNK_SEQ, _CHUNK_SEQ)], idx_v.at[0])
    start_gathers(0, g0)
    start_idx(first + 1, 1, i1)

    def pair_body(i, acc):
        a = first + 2 * i
        b = a + 1
        not_first = i > 0
        not_last = i < _PAIRS - 1

        @pl.when(not_first)
        def _():
            wait_out(1, o1)
        wait_idx(1, i1)
        start_gathers(1, g1)
        wait_gathers(0, g0)

        @pl.when(not_last)
        def _():
            start_idx(a + 2, 0, i0)
        add_pos(0)
        start_out(a, 0, o0)

        wait_gathers(1, g1)

        @pl.when(not_last)
        def _():
            start_idx(a + 3, 1, i1)
        add_pos(1)

        @pl.when(not_last)
        def _():
            wait_out(0, o0)
            wait_idx(0, i0)
            start_gathers(0, g0)
        start_out(b, 1, o1)
        return acc

    lax.fori_loop(0, _PAIRS, pair_body, 0)

    wait_out(0, o0)
    wait_out(1, o1)


@jax.jit
def _run(idx, token_table, position_table):
    mesh = plsc.VectorSubcoreMesh(core_axis_name="c", subcore_axis_name="s")
    grid_kernel = functools.partial(
        pl.kernel,
        mesh=mesh,
        out_type=jax.ShapeDtypeStruct((_ROWS, _PAD), jnp.float32),
        scratch_types=[
            pltpu.VMEM((2, _CHUNK_SEQ, _SEQ), jnp.int32),
            pltpu.VMEM((2, _CHUNK, _PAD), jnp.float32),
            pltpu.VMEM((_CHUNK, _D), jnp.float32),
            pltpu.SemaphoreType.DMA,
            pltpu.SemaphoreType.DMA,
            pltpu.SemaphoreType.DMA,
            pltpu.SemaphoreType.DMA,
            pltpu.SemaphoreType.DMA,
            pltpu.SemaphoreType.DMA,
        ],
        compiler_params=pltpu.CompilerParams(use_tc_tiling_on_sc=False),
    )(_body)
    out = grid_kernel(idx, token_table, position_table)
    return out[:, :_D].reshape(_BATCH, _SEQ, _D)


def kernel(inputs, token_table, position_table):
    padded = jnp.pad(token_table, ((0, 0), (0, _PAD - _D)))
    return _run(inputs.astype(jnp.int32), padded, position_table)

# --- scband reference (transcript-rebuilt; emitter-appended) ---
"""Pipeline reference for scband-positional-embedding-18236431138871 (READ-ONLY COPY).

The authoritative reference and input builder live on the scoring server;
editing this copy changes nothing except your own understanding.
"""

import jax, jax.numpy as jnp
import numpy as np

VOCAB = 1000000
SEQ_LEN = 200
EMBED_DIM = 64
BATCH = 4096


def setup_inputs(seed: int = 0) -> dict:
    key = jax.random.key(seed)
    k1, k2, k3 = jax.random.split(key, 3)
    inputs = jax.random.randint(k1, (BATCH, SEQ_LEN), 0, VOCAB, dtype=jnp.int64 if jax.config.jax_enable_x64 else jnp.int32)
    token_table = jax.random.normal(k2, (VOCAB, EMBED_DIM), dtype=jnp.float32) * 0.02
    position_table = jax.random.normal(k3, (SEQ_LEN, EMBED_DIM), dtype=jnp.float32) * 0.02
    return {"inputs": inputs, "token_table": token_table, "position_table": position_table}


def reference(inputs, token_table, position_table):
    # positions = tf.range(0, shape(inputs)[-1])
    positions = jnp.arange(inputs.shape[-1])
    # embedded_tokens = token_embeddings(inputs)  -> gather rows
    embedded_tokens = jnp.take(token_table, inputs, axis=0)
    # embedded_positions = position_embeddings(positions)
    embedded_positions = jnp.take(position_table, positions, axis=0)
    # broadcast-add positions over batch dim
    return embedded_tokens + embedded_positions

if __name__ == "__main__":
    import jax
    _d = setup_inputs()
    print(jax.jit(kernel)(*tuple(_d.values())))

</pallas_src>

<mosaic_0001>
#map = affine_map<(d0, d1) -> (0, 0)>
module attributes {stable_mosaic.version = 14 : i64} {
  func.func @_body(%arg0: i32, %arg1: i32, %arg2: memref<4096x200xi32, #tpu.memory_space<hbm>>, %arg3: memref<1000000x128xf32, #tpu.memory_space<hbm>>, %arg4: memref<200x64xf32, #tpu.memory_space<hbm>>, %arg5: memref<819200x128xf32, #tpu.memory_space<hbm>>, %arg6: memref<2x2x200xi32, #tpu.memory_space<vmem>>, %arg7: memref<2x400x128xf32, #tpu.memory_space<vmem>>, %arg8: memref<400x64xf32, #tpu.memory_space<vmem>>, %arg9: memref<!tpu.dma_semaphore, #tpu.memory_space<semaphore_mem>>, %arg10: memref<!tpu.dma_semaphore, #tpu.memory_space<semaphore_mem>>, %arg11: memref<!tpu.dma_semaphore, #tpu.memory_space<semaphore_mem>>, %arg12: memref<!tpu.dma_semaphore, #tpu.memory_space<semaphore_mem>>, %arg13: memref<!tpu.dma_semaphore, #tpu.memory_space<semaphore_mem>>, %arg14: memref<!tpu.dma_semaphore, #tpu.memory_space<semaphore_mem>>) attributes {dimension_semantics = [#tpu.dimension_semantics<core_parallel>, #tpu.dimension_semantics<subcore_parallel>], iteration_bounds = array<i64: 2, 16>, scalar_prefetch = 0 : i64, scratch_operands = 9 : i64, tpu.core_type = #tpu.core_type<sc_vector_subcore>, window_params = [{transform_indices = #map}, {transform_indices = #map}, {transform_indices = #map}, {transform_indices = #map}]} {
    %mul3A = arith.constant 2 : i32
    %mul3A_0 = arith.muli %arg1, %mul3A : i32
    %add3A = arith.addi %mul3A_0, %arg0 : i32
    %mul3A_1 = arith.constant 64 : i32
    %mul3A_2 = arith.muli %add3A, %mul3A_1 : i32
    "tpu.region"() ({
      %run_scoped3A_107 = tpu.sem_alloc : memref<!tpu.dma_semaphore, #tpu.memory_space<semaphore_mem>>
      %dma_start3A_108 = arith.constant 0 : i32
      %dma_start3A_109 = arith.constant 0 : i32
      %dma_start3A_110 = tpu.memref_slice %arg8[%dma_start3A_108, %dma_start3A_109] : memref<400x64xf32, #tpu.memory_space<vmem>> -> memref<200x64xf32, #tpu.memory_space<vmem>>
      %dma_start3A_111 = arith.constant 0 : i32
      %dma_start3A_112 = arith.constant 0 : i32
      %dma_start3A_113 = tpu.memref_slice %arg8[%dma_start3A_111, %dma_start3A_112] : memref<400x64xf32, #tpu.memory_space<vmem>> -> memref<200x64xf32, #tpu.memory_space<vmem>>
      tpu.enqueue_dma source(%arg4 : memref<200x64xf32, #tpu.memory_space<hbm>>) target(%dma_start3A_113 : memref<200x64xf32, #tpu.memory_space<vmem>>) target_semaphore(%run_scoped3A_107 : memref<!tpu.dma_semaphore, #tpu.memory_space<semaphore_mem>>)
      %dma_wait3A_114 = arith.constant 0 : i32
      %dma_wait3A_115 = arith.constant 0 : i32
      %dma_wait3A_116 = tpu.memref_slice %arg8[%dma_wait3A_114, %dma_wait3A_115] : memref<400x64xf32, #tpu.memory_space<vmem>> -> memref<200x64xf32, #tpu.memory_space<vmem>>
      %dma_wait3A_117 = arith.constant 0 : i32
      %dma_wait3A_118 = arith.constant 0 : i32
      %dma_wait3A_119 = tpu.memref_slice %arg8[%dma_wait3A_117, %dma_wait3A_118] : memref<400x64xf32, #tpu.memory_space<vmem>> -> memref<200x64xf32, #tpu.memory_space<vmem>>
      tpu.wait_dma2 semaphore(%run_scoped3A_107 : memref<!tpu.dma_semaphore, #tpu.memory_space<semaphore_mem>>) src(%arg4 : memref<200x64xf32, #tpu.memory_space<hbm>>) dst(%dma_wait3A_119 : memref<200x64xf32, #tpu.memory_space<vmem>>)
      tpu.yield
    }) : () -> ()
    "tpu.region"() ({
      %run_scoped3A_107 = tpu.sem_alloc : memref<!tpu.dma_semaphore, #tpu.memory_space<semaphore_mem>>
      %dma_start3A_108 = arith.constant 200 : i32
      %dma_start3A_109 = arith.constant 0 : i32
      %dma_start3A_110 = tpu.memref_slice %arg8[%dma_start3A_108, %dma_start3A_109] : memref<400x64xf32, #tpu.memory_space<vmem>> -> memref<200x64xf32, #tpu.memory_space<vmem>>
      %dma_start3A_111 = arith.constant 200 : i32
      %dma_start3A_112 = arith.constant 0 : i32
      %dma_start3A_113 = tpu.memref_slice %arg8[%dma_start3A_111, %dma_start3A_112] : memref<400x64xf32, #tpu.memory_space<vmem>> -> memref<200x64xf32, #tpu.memory_space<vmem>>
      tpu.enqueue_dma source(%arg4 : memref<200x64xf32, #tpu.memory_space<hbm>>) target(%dma_start3A_113 : memref<200x64xf32, #tpu.memory_space<vmem>>) target_semaphore(%run_scoped3A_107 : memref<!tpu.dma_semaphore, #tpu.memory_space<semaphore_mem>>)
      %dma_wait3A_114 = arith.constant 200 : i32
      %dma_wait3A_115 = arith.constant 0 : i32
      %dma_wait3A_116 = tpu.memref_slice %arg8[%dma_wait3A_114, %dma_wait3A_115] : memref<400x64xf32, #tpu.memory_space<vmem>> -> memref<200x64xf32, #tpu.memory_space<vmem>>
      %dma_wait3A_117 = arith.constant 200 : i32
      %dma_wait3A_118 = arith.constant 0 : i32
      %dma_wait3A_119 = tpu.memref_slice %arg8[%dma_wait3A_117, %dma_wait3A_118] : memref<400x64xf32, #tpu.memory_space<vmem>> -> memref<200x64xf32, #tpu.memory_space<vmem>>
      tpu.wait_dma2 semaphore(%run_scoped3A_107 : memref<!tpu.dma_semaphore, #tpu.memory_space<semaphore_mem>>) src(%arg4 : memref<200x64xf32, #tpu.memory_space<hbm>>) dst(%dma_wait3A_119 : memref<200x64xf32, #tpu.memory_space<vmem>>)
      tpu.yield
    }) : () -> ()
    %mul3A_3 = arith.constant 2 : i32
    %mul3A_4 = arith.muli %mul3A_2, %mul3A_3 : i32
    %run_scoped3A = arith.constant 0 : i32
    "tpu.region"() ({
      %run_scoped3A_107 = tpu.sem_alloc : memref<!tpu.dma_semaphore, #tpu.memory_space<semaphore_mem>>
      %dma_start3A_108 = arith.constant 0 : i32
      %dma_start3A_109 = arith.constant 0 : i32
      %dma_start3A_110 = tpu.memref_slice %arg6[%run_scoped3A, %dma_start3A_108, %dma_start3A_109] : memref<2x2x200xi32, #tpu.memory_space<vmem>> -> memref<1x2x200xi32, #tpu.memory_space<vmem>>
      %dma_start3A_111 = tpu.memref_squeeze %dma_start3A_110 : memref<1x2x200xi32, #tpu.memory_space<vmem>> -> memref<2x200xi32, #tpu.memory_space<vmem>>
      %dma_start3A_112 = arith.constant 0 : i32
      %dma_start3A_113 = tpu.memref_slice %arg2[%mul3A_4, %dma_start3A_112] : memref<4096x200xi32, #tpu.memory_space<hbm>> -> memref<2x200xi32, #tpu.memory_space<hbm>>
      %dma_start3A_114 = arith.constant 0 : i32
      %dma_start3A_115 = arith.constant 0 : i32
      %dma_start3A_116 = tpu.memref_slice %arg6[%run_scoped3A, %dma_start3A_114, %dma_start3A_115] : memref<2x2x200xi32, #tpu.memory_space<vmem>> -> memref<1x2x200xi32, #tpu.memory_space<vmem>>
      %dma_start3A_117 = tpu.memref_squeeze %dma_start3A_116 : memref<1x2x200xi32, #tpu.memory_space<vmem>> -> memref<2x200xi32, #tpu.memory_space<vmem>>
      %dma_start3A_118 = arith.constant 0 : i32
      %dma_start3A_119 = tpu.memref_slice %arg2[%mul3A_4, %dma_start3A_118] : memref<4096x200xi32, #tpu.memory_space<hbm>> -> memref<2x200xi32, #tpu.memory_space<hbm>>
      tpu.enqueue_dma source(%dma_start3A_119 : memref<2x200xi32, #tpu.memory_space<hbm>>) target(%dma_start3A_117 : memref<2x200xi32, #tpu.memory_space<vmem>>) target_semaphore(%run_scoped3A_107 : memref<!tpu.dma_semaphore, #tpu.memory_space<semaphore_mem>>)
      %dma_wait3A_120 = arith.constant 0 : i32
      %dma_wait3A_121 = arith.constant 0 : i32
      %dma_wait3A_122 = tpu.memref_slice %arg6[%run_scoped3A, %dma_wait3A_120, %dma_wait3A_121] : memref<2x2x200xi32, #tpu.memory_space<vmem>> -> memref<1x2x200xi32, #tpu.memory_space<vmem>>
      %dma_wait3A_123 = tpu.memref_squeeze %dma_wait3A_122 : memref<1x2x200xi32, #tpu.memory_space<vmem>> -> memref<2x200xi32, #tpu.memory_space<vmem>>
      %dma_wait3A_124 = arith.constant 0 : i32
      %dma_wait3A_125 = tpu.memref_slice %arg2[%mul3A_4, %dma_wait3A_124] : memref<4096x200xi32, #tpu.memory_space<hbm>> -> memref<2x200xi32, #tpu.memory_space<hbm>>
      %dma_wait3A_126 = arith.constant 0 : i32
      %dma_wait3A_127 = arith.constant 0 : i32
      %dma_wait3A_128 = tpu.memref_slice %arg6[%run_scoped3A, %dma_wait3A_126, %dma_wait3A_127] : memref<2x2x200xi32, #tpu.memory_space<vmem>> -> memref<1x2x200xi32, #tpu.memory_space<vmem>>
      %dma_wait3A_129 = tpu.memref_squeeze %dma_wait3A_128 : memref<1x2x200xi32, #tpu.memory_space<vmem>> -> memref<2x200xi32, #tpu.memory_space<vmem>>
      %dma_wait3A_130 = arith.constant 0 : i32
      %dma_wait3A_131 = tpu.memref_slice %arg2[%mul3A_4, %dma_wait3A_130] : memref<4096x200xi32, #tpu.memory_space<hbm>> -> memref<2x200xi32, #tpu.memory_space<hbm>>
      tpu.wait_dma2 semaphore(%run_scoped3A_107 : memref<!tpu.dma_semaphore, #tpu.memory_space<semaphore_mem>>) src(%dma_wait3A_131 : memref<2x200xi32, #tpu.memory_space<hbm>>) dst(%dma_wait3A_129 : memref<2x200xi32, #tpu.memory_space<vmem>>)
      tpu.yield
    }) : () -> ()
    %dma_start3A = arith.constant 0 : i32
    %dma_start3A_5 = arith.constant 0 : i32
    %dma_start3A_6 = arith.constant 0 : i32
    %dma_start3A_7 = arith.constant 0 : i32
    %dma_start3A_8 = arith.constant 0 : i32
    %dma_start3A_9 = tpu.memref_slice %arg7[%dma_start3A_6, %dma_start3A_7, %dma_start3A_8] : memref<2x400x128xf32, #tpu.memory_space<vmem>> -> memref<1x104x128xf32, #tpu.memory_space<vmem>>
    %dma_start3A_10 = tpu.memref_squeeze %dma_start3A_9 : memref<1x104x128xf32, #tpu.memory_space<vmem>> -> memref<104x128xf32, #tpu.memory_space<vmem>>
    %dma_start3A_11 = arith.constant 0 : i32
    %dma_start3A_12 = tpu.memref_slice %arg6[%dma_start3A, %dma_start3A_5, %dma_start3A_11] : memref<2x2x200xi32, #tpu.memory_space<vmem>> -> memref<1x1x104xi32, #tpu.memory_space<vmem>>
    %dma_start3A_13 = tpu.memref_squeeze %dma_start3A_12 : memref<1x1x104xi32, #tpu.memory_space<vmem>> -> memref<104xi32, #tpu.memory_space<vmem>>
    %dma_start3A_14 = arith.constant 0 : i32
    %dma_start3A_15 = arith.constant 0 : i32
    %dma_start3A_16 = tpu.memref_slice %arg3[%dma_start3A_14, %dma_start3A_15] : memref<1000000x128xf32, #tpu.memory_space<hbm>> -> memref<1000000x128xf32, #tpu.memory_space<hbm>>
    tpu.enqueue_indirect_dma source(%dma_start3A_16 : memref<1000000x128xf32, #tpu.memory_space<hbm>>) target(%dma_start3A_10 : memref<104x128xf32, #tpu.memory_space<vmem>>) offsets(%dma_start3A_13 : memref<104xi32, #tpu.memory_space<vmem>>) semaphore(%arg9 : memref<!tpu.dma_semaphore, #tpu.memory_space<semaphore_mem>>)
    %dma_start3A_17 = arith.constant 0 : i32
    %dma_start3A_18 = arith.constant 0 : i32
    %dma_start3A_19 = arith.constant 0 : i32
    %dma_start3A_20 = arith.constant 104 : i32
    %dma_start3A_21 = arith.constant 0 : i32
    %dma_start3A_22 = tpu.memref_slice %arg7[%dma_start3A_19, %dma_start3A_20, %dma_start3A_21] : memref<2x400x128xf32, #tpu.memory_space<vmem>> -> memref<1x96x128xf32, #tpu.memory_space<vmem>>
    %dma_start3A_23 = tpu.memref_squeeze %dma_start3A_22 : memref<1x96x128xf32, #tpu.memory_space<vmem>> -> memref<96x128xf32, #tpu.memory_space<vmem>>
    %dma_start3A_24 = arith.constant 104 : i32
    %dma_start3A_25 = tpu.memref_slice %arg6[%dma_start3A_17, %dma_start3A_18, %dma_start3A_24] : memref<2x2x200xi32, #tpu.memory_space<vmem>> -> memref<1x1x96xi32, #tpu.memory_space<vmem>>
    %dma_start3A_26 = tpu.memref_squeeze %dma_start3A_25 : memref<1x1x96xi32, #tpu.memory_space<vmem>> -> memref<96xi32, #tpu.memory_space<vmem>>
    %dma_start3A_27 = arith.constant 0 : i32
    %dma_start3A_28 = arith.constant 0 : i32
    %dma_start3A_29 = tpu.memref_slice %arg3[%dma_start3A_27, %dma_start3A_28] : memref<1000000x128xf32, #tpu.memory_space<hbm>> -> memref<1000000x128xf32, #tpu.memory_space<hbm>>
    tpu.enqueue_indirect_dma source(%dma_start3A_29 : memref<1000000x128xf32, #tpu.memory_space<hbm>>) target(%dma_start3A_23 : memref<96x128xf32, #tpu.memory_space<vmem>>) offsets(%dma_start3A_26 : memref<96xi32, #tpu.memory_space<vmem>>) semaphore(%arg9 : memref<!tpu.dma_semaphore, #tpu.memory_space<semaphore_mem>>)
    %dma_start3A_30 = arith.constant 0 : i32
    %dma_start3A_31 = arith.constant 1 : i32
    %dma_start3A_32 = arith.constant 0 : i32
    %dma_start3A_33 = arith.constant 200 : i32
    %dma_start3A_34 = arith.constant 0 : i32
    %dma_start3A_35 = tpu.memref_slice %arg7[%dma_start3A_32, %dma_start3A_33, %dma_start3A_34] : memref<2x400x128xf32, #tpu.memory_space<vmem>> -> memref<1x104x128xf32, #tpu.memory_space<vmem>>
    %dma_start3A_36 = tpu.memref_squeeze %dma_start3A_35 : memref<1x104x128xf32, #tpu.memory_space<vmem>> -> memref<104x128xf32, #tpu.memory_space<vmem>>
    %dma_start3A_37 = arith.constant 0 : i32
    %dma_start3A_38 = tpu.memref_slice %arg6[%dma_start3A_30, %dma_start3A_31, %dma_start3A_37] : memref<2x2x200xi32, #tpu.memory_space<vmem>> -> memref<1x1x104xi32, #tpu.memory_space<vmem>>
    %dma_start3A_39 = tpu.memref_squeeze %dma_start3A_38 : memref<1x1x104xi32, #tpu.memory_space<vmem>> -> memref<104xi32, #tpu.memory_space<vmem>>
    %dma_start3A_40 = arith.constant 0 : i32
    %dma_start3A_41 = arith.constant 0 : i32
    %dma_start3A_42 = tpu.memref_slice %arg3[%dma_start3A_40, %dma_start3A_41] : memref<1000000x128xf32, #tpu.memory_space<hbm>> -> memref<1000000x128xf32, #tpu.memory_space<hbm>>
    tpu.enqueue_indirect_dma source(%dma_start3A_42 : memref<1000000x128xf32, #tpu.memory_space<hbm>>) target(%dma_start3A_36 : memref<104x128xf32, #tpu.memory_space<vmem>>) offsets(%dma_start3A_39 : memref<104xi32, #tpu.memory_space<vmem>>) semaphore(%arg9 : memref<!tpu.dma_semaphore, #tpu.memory_space<semaphore_mem>>)
    %dma_start3A_43 = arith.constant 0 : i32
    %dma_start3A_44 = arith.constant 1 : i32
    %dma_start3A_45 = arith.constant 0 : i32
    %dma_start3A_46 = arith.constant 304 : i32
    %dma_start3A_47 = arith.constant 0 : i32
    %dma_start3A_48 = tpu.memref_slice %arg7[%dma_start3A_45, %dma_start3A_46, %dma_start3A_47] : memref<2x400x128xf32, #tpu.memory_space<vmem>> -> memref<1x96x128xf32, #tpu.memory_space<vmem>>
    %dma_start3A_49 = tpu.memref_squeeze %dma_start3A_48 : memref<1x96x128xf32, #tpu.memory_space<vmem>> -> memref<96x128xf32, #tpu.memory_space<vmem>>
    %dma_start3A_50 = arith.constant 104 : i32
    %dma_start3A_51 = tpu.memref_slice %arg6[%dma_start3A_43, %dma_start3A_44, %dma_start3A_50] : memref<2x2x200xi32, #tpu.memory_space<vmem>> -> memref<1x1x96xi32, #tpu.memory_space<vmem>>
    %dma_start3A_52 = tpu.memref_squeeze %dma_start3A_51 : memref<1x1x96xi32, #tpu.memory_space<vmem>> -> memref<96xi32, #tpu.memory_space<vmem>>
    %dma_start3A_53 = arith.constant 0 : i32
    %dma_start3A_54 = arith.constant 0 : i32
    %dma_start3A_55 = tpu.memref_slice %arg3[%dma_start3A_53, %dma_start3A_54] : memref<1000000x128xf32, #tpu.memory_space<hbm>> -> memref<1000000x128xf32, #tpu.memory_space<hbm>>
    tpu.enqueue_indirect_dma source(%dma_start3A_55 : memref<1000000x128xf32, #tpu.memory_space<hbm>>) target(%dma_start3A_49 : memref<96x128xf32, #tpu.memory_space<vmem>>) offsets(%dma_start3A_52 : memref<96xi32, #tpu.memory_space<vmem>>) semaphore(%arg9 : memref<!tpu.dma_semaphore, #tpu.memory_space<semaphore_mem>>)
    %add3A_56 = arith.constant 1 : i32
    %add3A_57 = arith.addi %mul3A_2, %add3A_56 : i32
    %mul3A_58 = arith.constant 2 : i32
    %mul3A_59 = arith.muli %add3A_57, %mul3A_58 : i32
    %dma_start3A_60 = arith.constant 1 : i32
    %dma_start3A_61 = arith.constant 0 : i32
    %dma_start3A_62 = arith.constant 0 : i32
    %dma_start3A_63 = tpu.memref_slice %arg6[%dma_start3A_60, %dma_start3A_61, %dma_start3A_62] : memref<2x2x200xi32, #tpu.memory_space<vmem>> -> memref<1x2x200xi32, #tpu.memory_space<vmem>>
    %dma_start3A_64 = tpu.memref_squeeze %dma_start3A_63 : memref<1x2x200xi32, #tpu.memory_space<vmem>> -> memref<2x200xi32, #tpu.memory_space<vmem>>
    %dma_start3A_65 = arith.constant 0 : i32
    %dma_start3A_66 = tpu.memref_slice %arg2[%mul3A_59, %dma_start3A_65] : memref<4096x200xi32, #tpu.memory_space<hbm>> -> memref<2x200xi32, #tpu.memory_space<hbm>>
    %dma_start3A_67 = arith.constant 0 : i32
    %dma_start3A_68 = arith.constant 0 : i32
    %dma_start3A_69 = tpu.memref_slice %arg6[%dma_start3A_60, %dma_start3A_67, %dma_start3A_68] : memref<2x2x200xi32, #tpu.memory_space<vmem>> -> memref<1x2x200xi32, #tpu.memory_space<vmem>>
    %dma_start3A_70 = tpu.memref_squeeze %dma_start3A_69 : memref<1x2x200xi32, #tpu.memory_space<vmem>> -> memref<2x200xi32, #tpu.memory_space<vmem>>
    %dma_start3A_71 = arith.constant 0 : i32
    %dma_start3A_72 = tpu.memref_slice %arg2[%mul3A_59, %dma_start3A_71] : memref<4096x200xi32, #tpu.memory_space<hbm>> -> memref<2x200xi32, #tpu.memory_space<hbm>>
    tpu.enqueue_dma source(%dma_start3A_72 : memref<2x200xi32, #tpu.memory_space<hbm>>) target(%dma_start3A_70 : memref<2x200xi32, #tpu.memory_space<vmem>>) target_semaphore(%arg12 : memref<!tpu.dma_semaphore, #tpu.memory_space<semaphore_mem>>)
    %scan3A = arith.constant 0 : i32
    %scan3A_73 = arith.constant 0 : i32
    %scan3A_74 = arith.constant 32 : i32
    %scan3A_75 = arith.addi %scan3A_73, %scan3A_74 : i32
    %scan3A_76 = arith.constant 1 : i32
    scf.for %scan3A_107 = %scan3A_73 to %scan3A_75 step %scan3A_76  : i32 {
      %mul3A_108 = arith.constant 2 : i32
      %mul3A_109 = arith.muli %mul3A_108, %scan3A_107 : i32
      %add3A_110 = arith.addi %mul3A_2, %mul3A_109 : i32
      %add3A_111 = arith.constant 1 : i32
      %add3A_112 = arith.addi %add3A_110, %add3A_111 : i32
      %gt3A = arith.constant 0 : i32
      %gt3A_113 = arith.cmpi sgt, %scan3A_107, %gt3A : i32
      %lt3A = arith.constant 31 : i32
      %lt3A_114 = arith.cmpi slt, %scan3A_107, %lt3A : i32
      %convert_element_type3A = arith.extui %gt3A_113 : i1 to i32
      %cond3A = arith.constant 0 : i32
      %cond3A_115 = arith.cmpi ne, %convert_element_type3A, %cond3A : i32
      scf.if %cond3A_115 {
        %dma_wait3A_338 = arith.constant 1 : i32
        %dma_wait3A_339 = arith.constant 0 : i32
        %dma_wait3A_340 = arith.constant 0 : i32
        %dma_wait3A_341 = tpu.memref_slice %arg7[%dma_wait3A_338, %dma_wait3A_339, %dma_wait3A_340] : memref<2x400x128xf32, #tpu.memory_space<vmem>> -> memref<1x400x128xf32, #tpu.memory_space<vmem>>
        %dma_wait3A_342 = tpu.memref_squeeze %dma_wait3A_341 : memref<1x400x128xf32, #tpu.memory_space<vmem>> -> memref<400x128xf32, #tpu.memory_space<vmem>>
        %dma_wait3A_343 = arith.constant 0 : i32
        %dma_wait3A_344 = arith.constant 0 : i32
        %dma_wait3A_345 = tpu.memref_slice %arg5[%dma_wait3A_343, %dma_wait3A_344] : memref<819200x128xf32, #tpu.memory_space<hbm>> -> memref<400x128xf32, #tpu.memory_space<hbm>>
        %dma_wait3A_346 = arith.constant 0 : i32
        %dma_wait3A_347 = arith.constant 0 : i32
        %dma_wait3A_348 = tpu.memref_slice %arg5[%dma_wait3A_346, %dma_wait3A_347] : memref<819200x128xf32, #tpu.memory_space<hbm>> -> memref<400x128xf32, #tpu.memory_space<hbm>>
        %dma_wait3A_349 = arith.constant 0 : i32
        %dma_wait3A_350 = arith.constant 0 : i32
        %dma_wait3A_351 = tpu.memref_slice %arg7[%dma_wait3A_338, %dma_wait3A_349, %dma_wait3A_350] : memref<2x400x128xf32, #tpu.memory_space<vmem>> -> memref<1x400x128xf32, #tpu.memory_space<vmem>>
        %dma_wait3A_352 = tpu.memref_squeeze %dma_wait3A_351 : memref<1x400x128xf32, #tpu.memory_space<vmem>> -> memref<400x128xf32, #tpu.memory_space<vmem>>
        tpu.wait_dma2 semaphore(%arg14 : memref<!tpu.dma_semaphore, #tpu.memory_space<semaphore_mem>>) src(%dma_wait3A_352 : memref<400x128xf32, #tpu.memory_space<vmem>>) dst(%dma_wait3A_348 : memref<400x128xf32, #tpu.memory_space<hbm>>)
      } else {
      }
      %dma_wait3A_116 = arith.constant 1 : i32
      %dma_wait3A_117 = arith.constant 0 : i32
      %dma_wait3A_118 = arith.constant 0 : i32
      %dma_wait3A_119 = tpu.memref_slice %arg6[%dma_wait3A_116, %dma_wait3A_117, %dma_wait3A_118] : memref<2x2x200xi32, #tpu.memory_space<vmem>> -> memref<1x2x200xi32, #tpu.memory_space<vmem>>
      %dma_wait3A_120 = tpu.memref_squeeze %dma_wait3A_119 : memref<1x2x200xi32, #tpu.memory_space<vmem>> -> memref<2x200xi32, #tpu.memory_space<vmem>>
      %dma_wait3A_121 = arith.constant 0 : i32
      %dma_wait3A_122 = arith.constant 0 : i32
      %dma_wait3A_123 = tpu.memref_slice %arg2[%dma_wait3A_121, %dma_wait3A_122] : memref<4096x200xi32, #tpu.memory_space<hbm>> -> memref<2x200xi32, #tpu.memory_space<hbm>>
      %dma_wait3A_124 = arith.constant 0 : i32
      %dma_wait3A_125 = arith.constant 0 : i32
      %dma_wait3A_126 = tpu.memref_slice %arg6[%dma_wait3A_116, %dma_wait3A_124, %dma_wait3A_125] : memref<2x2x200xi32, #tpu.memory_space<vmem>> -> memref<1x2x200xi32, #tpu.memory_space<vmem>>
      %dma_wait3A_127 = tpu.memref_squeeze %dma_wait3A_126 : memref<1x2x200xi32, #tpu.memory_space<vmem>> -> memref<2x200xi32, #tpu.memory_space<vmem>>
      %dma_wait3A_128 = arith.constant 0 : i32
      %dma_wait3A_129 = arith.constant 0 : i32
      %dma_wait3A_130 = tpu.memref_slice %arg2[%dma_wait3A_128, %dma_wait3A_129] : memref<4096x200xi32, #tpu.memory_space<hbm>> -> memref<2x200xi32, #tpu.memory_space<hbm>>
      tpu.wait_dma2 semaphore(%arg12 : memref<!tpu.dma_semaphore, #tpu.memory_space<semaphore_mem>>) src(%dma_wait3A_130 : memref<2x200xi32, #tpu.memory_space<hbm>>) dst(%dma_wait3A_127 : memref<2x200xi32, #tpu.memory_space<vmem>>)
      %dma_start3A_131 = arith.constant 1 : i32
      %dma_start3A_132 = arith.constant 0 : i32
      %dma_start3A_133 = arith.constant 1 : i32
      %dma_start3A_134 = arith.constant 0 : i32
      %dma_start3A_135 = arith.constant 0 : i32
      %dma_start3A_136 = tpu.memref_slice %arg7[%dma_start3A_133, %dma_start3A_134, %dma_start3A_135] : memref<2x400x128xf32, #tpu.memory_space<vmem>> -> memref<1x104x128xf32, #tpu.memory_space<vmem>>
      %dma_start3A_137 = tpu.memref_squeeze %dma_start3A_136 : memref<1x104x128xf32, #tpu.memory_space<vmem>> -> memref<104x128xf32, #tpu.memory_space<vmem>>
      %dma_start3A_138 = arith.constant 0 : i32
      %dma_start3A_139 = tpu.memref_slice %arg6[%dma_start3A_131, %dma_start3A_132, %dma_start3A_138] : memref<2x2x200xi32, #tpu.memory_space<vmem>> -> memref<1x1x104xi32, #tpu.memory_space<vmem>>
      %dma_start3A_140 = tpu.memref_squeeze %dma_start3A_139 : memref<1x1x104xi32, #tpu.memory_space<vmem>> -> memref<104xi32, #tpu.memory_space<vmem>>
      %dma_start3A_141 = arith.constant 0 : i32
      %dma_start3A_142 = arith.constant 0 : i32
      %dma_start3A_143 = tpu.memref_slice %arg3[%dma_start3A_141, %dma_start3A_142] : memref<1000000x128xf32, #tpu.memory_space<hbm>> -> memref<1000000x128xf32, #tpu.memory_space<hbm>>
      tpu.enqueue_indirect_dma source(%dma_start3A_143 : memref<1000000x128xf32, #tpu.memory_space<hbm>>) target(%dma_start3A_137 : memref<104x128xf32, #tpu.memory_space<vmem>>) offsets(%dma_start3A_140 : memref<104xi32, #tpu.memory_space<vmem>>) semaphore(%arg10 : memref<!tpu.dma_semaphore, #tpu.memory_space<semaphore_mem>>)
      %dma_start3A_144 = arith.constant 1 : i32
      %dma_start3A_145 = arith.constant 0 : i32
      %dma_start3A_146 = arith.constant 1 : i32
      %dma_start3A_147 = arith.constant 104 : i32
      %dma_start3A_148 = arith.constant 0 : i32
      %dma_start3A_149 = tpu.memref_slice %arg7[%dma_start3A_146, %dma_start3A_147, %dma_start3A_148] : memref<2x400x128xf32, #tpu.memory_space<vmem>> -> memref<1x96x128xf32, #tpu.memory_space<vmem>>
      %dma_start3A_150 = tpu.memref_squeeze %dma_start3A_149 : memref<1x96x128xf32, #tpu.memory_space<vmem>> -> memref<96x128xf32, #tpu.memory_space<vmem>>
      %dma_start3A_151 = arith.constant 104 : i32
      %dma_start3A_152 = tpu.memref_slice %arg6[%dma_start3A_144, %dma_start3A_145, %dma_start3A_151] : memref<2x2x200xi32, #tpu.memory_space<vmem>> -> memref<1x1x96xi32, #tpu.memory_space<vmem>>
      %dma_start3A_153 = tpu.memref_squeeze %dma_start3A_152 : memref<1x1x96xi32, #tpu.memory_space<vmem>> -> memref<96xi32, #tpu.memory_space<vmem>>
      %dma_start3A_154 = arith.constant 0 : i32
      %dma_start3A_155 = arith.constant 0 : i32
      %dma_start3A_156 = tpu.memref_slice %arg3[%dma_start3A_154, %dma_start3A_155] : memref<1000000x128xf32, #tpu.memory_space<hbm>> -> memref<1000000x128xf32, #tpu.memory_space<hbm>>
      tpu.enqueue_indirect_dma source(%dma_start3A_156 : memref<1000000x128xf32, #tpu.memory_space<hbm>>) target(%dma_start3A_150 : memref<96x128xf32, #tpu.memory_space<vmem>>) offsets(%dma_start3A_153 : memref<96xi32, #tpu.memory_space<vmem>>) semaphore(%arg10 : memref<!tpu.dma_semaphore, #tpu.memory_space<semaphore_mem>>)
      %dma_start3A_157 = arith.constant 1 : i32
      %dma_start3A_158 = arith.constant 1 : i32
      %dma_start3A_159 = arith.constant 1 : i32
      %dma_start3A_160 = arith.constant 200 : i32
      %dma_start3A_161 = arith.constant 0 : i32
      %dma_start3A_162 = tpu.memref_slice %arg7[%dma_start3A_159, %dma_start3A_160, %dma_start3A_161] : memref<2x400x128xf32, #tpu.memory_space<vmem>> -> memref<1x104x128xf32, #tpu.memory_space<vmem>>
      %dma_start3A_163 = tpu.memref_squeeze %dma_start3A_162 : memref<1x104x128xf32, #tpu.memory_space<vmem>> -> memref<104x128xf32, #tpu.memory_space<vmem>>
      %dma_start3A_164 = arith.constant 0 : i32
      %dma_start3A_165 = tpu.memref_slice %arg6[%dma_start3A_157, %dma_start3A_158, %dma_start3A_164] : memref<2x2x200xi32, #tpu.memory_space<vmem>> -> memref<1x1x104xi32, #tpu.memory_space<vmem>>
      %dma_start3A_166 = tpu.memref_squeeze %dma_start3A_165 : memref<1x1x104xi32, #tpu.memory_space<vmem>> -> memref<104xi32, #tpu.memory_space<vmem>>
      %dma_start3A_167 = arith.constant 0 : i32
      %dma_start3A_168 = arith.constant 0 : i32
      %dma_start3A_169 = tpu.memref_slice %arg3[%dma_start3A_167, %dma_start3A_168] : memref<1000000x128xf32, #tpu.memory_space<hbm>> -> memref<1000000x128xf32, #tpu.memory_space<hbm>>
      tpu.enqueue_indirect_dma source(%dma_start3A_169 : memref<1000000x128xf32, #tpu.memory_space<hbm>>) target(%dma_start3A_163 : memref<104x128xf32, #tpu.memory_space<vmem>>) offsets(%dma_start3A_166 : memref<104xi32, #tpu.memory_space<vmem>>) semaphore(%arg10 : memref<!tpu.dma_semaphore, #tpu.memory_space<semaphore_mem>>)
      %dma_start3A_170 = arith.constant 1 : i32
      %dma_start3A_171 = arith.constant 1 : i32
      %dma_start3A_172 = arith.constant 1 : i32
      %dma_start3A_173 = arith.constant 304 : i32
      %dma_start3A_174 = arith.constant 0 : i32
      %dma_start3A_175 = tpu.memref_slice %arg7[%dma_start3A_172, %dma_start3A_173, %dma_start3A_174] : memref<2x400x128xf32, #tpu.memory_space<vmem>> -> memref<1x96x128xf32, #tpu.memory_space<vmem>>
      %dma_start3A_176 = tpu.memref_squeeze %dma_start3A_175 : memref<1x96x128xf32, #tpu.memory_space<vmem>> -> memref<96x128xf32, #tpu.memory_space<vmem>>
      %dma_start3A_177 = arith.constant 104 : i32
      %dma_start3A_178 = tpu.memref_slice %arg6[%dma_start3A_170, %dma_start3A_171, %dma_start3A_177] : memref<2x2x200xi32, #tpu.memory_space<vmem>> -> memref<1x1x96xi32, #tpu.memory_space<vmem>>
      %dma_start3A_179 = tpu.memref_squeeze %dma_start3A_178 : memref<1x1x96xi32, #tpu.memory_space<vmem>> -> memref<96xi32, #tpu.memory_space<vmem>>
      %dma_start3A_180 = arith.constant 0 : i32
      %dma_start3A_181 = arith.constant 0 : i32
      %dma_start3A_182 = tpu.memref_slice %arg3[%dma_start3A_180, %dma_start3A_181] : memref<1000000x128xf32, #tpu.memory_space<hbm>> -> memref<1000000x128xf32, #tpu.memory_space<hbm>>
      tpu.enqueue_indirect_dma source(%dma_start3A_182 : memref<1000000x128xf32, #tpu.memory_space<hbm>>) target(%dma_start3A_176 : memref<96x128xf32, #tpu.memory_space<vmem>>) offsets(%dma_start3A_179 : memref<96xi32, #tpu.memory_space<vmem>>) semaphore(%arg10 : memref<!tpu.dma_semaphore, #tpu.memory_space<semaphore_mem>>)
      %dma_wait3A_183 = arith.constant 0 : i32
      %dma_wait3A_184 = arith.constant 0 : i32
      %dma_wait3A_185 = arith.constant 0 : i32
      %dma_wait3A_186 = arith.constant 0 : i32
      %dma_wait3A_187 = arith.constant 0 : i32
      %dma_wait3A_188 = tpu.memref_slice %arg7[%dma_wait3A_185, %dma_wait3A_186, %dma_wait3A_187] : memref<2x400x128xf32, #tpu.memory_space<vmem>> -> memref<1x104x128xf32, #tpu.memory_space<vmem>>
      %dma_wait3A_189 = tpu.memref_squeeze %dma_wait3A_188 : memref<1x104x128xf32, #tpu.memory_space<vmem>> -> memref<104x128xf32, #tpu.memory_space<vmem>>
      %dma_wait3A_190 = arith.constant 0 : i32
      %dma_wait3A_191 = tpu.memref_slice %arg6[%dma_wait3A_183, %dma_wait3A_184, %dma_wait3A_190] : memref<2x2x200xi32, #tpu.memory_space<vmem>> -> memref<1x1x104xi32, #tpu.memory_space<vmem>>
      %dma_wait3A_192 = tpu.memref_squeeze %dma_wait3A_191 : memref<1x1x104xi32, #tpu.memory_space<vmem>> -> memref<104xi32, #tpu.memory_space<vmem>>
      %dma_wait3A_193 = arith.constant 0 : i32
      %dma_wait3A_194 = arith.constant 0 : i32
      %dma_wait3A_195 = tpu.memref_slice %arg3[%dma_wait3A_193, %dma_wait3A_194] : memref<1000000x128xf32, #tpu.memory_space<hbm>> -> memref<1000000x128xf32, #tpu.memory_space<hbm>>
      tpu.wait_indirect_dma semaphore(%arg9 : memref<!tpu.dma_semaphore, #tpu.memory_space<semaphore_mem>>) src(%dma_wait3A_195 : memref<1000000x128xf32, #tpu.memory_space<hbm>>) dst(%dma_wait3A_189 : memref<104x128xf32, #tpu.memory_space<vmem>>)
      %dma_wait3A_196 = arith.constant 0 : i32
      %dma_wait3A_197 = arith.constant 0 : i32
      %dma_wait3A_198 = arith.constant 0 : i32
      %dma_wait3A_199 = arith.constant 104 : i32
      %dma_wait3A_200 = arith.constant 0 : i32
      %dma_wait3A_201 = tpu.memref_slice %arg7[%dma_wait3A_198, %dma_wait3A_199, %dma_wait3A_200] : memref<2x400x128xf32, #tpu.memory_space<vmem>> -> memref<1x96x128xf32, #tpu.memory_space<vmem>>
      %dma_wait3A_202 = tpu.memref_squeeze %dma_wait3A_201 : memref<1x96x128xf32, #tpu.memory_space<vmem>> -> memref<96x128xf32, #tpu.memory_space<vmem>>
      %dma_wait3A_203 = arith.constant 104 : i32
      %dma_wait3A_204 = tpu.memref_slice %arg6[%dma_wait3A_196, %dma_wait3A_197, %dma_wait3A_203] : memref<2x2x200xi32, #tpu.memory_space<vmem>> -> memref<1x1x96xi32, #tpu.memory_space<vmem>>
      %dma_wait3A_205 = tpu.memref_squeeze %dma_wait3A_204 : memref<1x1x96xi32, #tpu.memory_space<vmem>> -> memref<96xi32, #tpu.memory_space<vmem>>
      %dma_wait3A_206 = arith.constant 0 : i32
      %dma_wait3A_207 = arith.constant 0 : i32
      %dma_wait3A_208 = tpu.memref_slice %arg3[%dma_wait3A_206, %dma_wait3A_207] : memref<1000000x128xf32, #tpu.memory_space<hbm>> -> memref<1000000x128xf32, #tpu.memory_space<hbm>>
      tpu.wait_indirect_dma semaphore(%arg9 : memref<!tpu.dma_semaphore, #tpu.memory_space<semaphore_mem>>) src(%dma_wait3A_208 : memref<1000000x128xf32, #tpu.memory_space<hbm>>) dst(%dma_wait3A_202 : memref<96x128xf32, #tpu.memory_space<vmem>>)
      %dma_wait3A_209 = arith.constant 0 : i32
      %dma_wait3A_210 = arith.constant 1 : i32
      %dma_wait3A_211 = arith.constant 0 : i32
      %dma_wait3A_212 = arith.constant 200 : i32
      %dma_wait3A_213 = arith.constant 0 : i32
      %dma_wait3A_214 = tpu.memref_slice %arg7[%dma_wait3A_211, %dma_wait3A_212, %dma_wait3A_213] : memref<2x400x128xf32, #tpu.memory_space<vmem>> -> memref<1x104x128xf32, #tpu.memory_space<vmem>>
      %dma_wait3A_215 = tpu.memref_squeeze %dma_wait3A_214 : memref<1x104x128xf32, #tpu.memory_space<vmem>> -> memref<104x128xf32, #tpu.memory_space<vmem>>
      %dma_wait3A_216 = arith.constant 0 : i32
      %dma_wait3A_217 = tpu.memref_slice %arg6[%dma_wait3A_209, %dma_wait3A_210, %dma_wait3A_216] : memref<2x2x200xi32, #tpu.memory_space<vmem>> -> memref<1x1x104xi32, #tpu.memory_space<vmem>>
      %dma_wait3A_218 = tpu.memref_squeeze %dma_wait3A_217 : memref<1x1x104xi32, #tpu.memory_space<vmem>> -> memref<104xi32, #tpu.memory_space<vmem>>
      %dma_wait3A_219 = arith.constant 0 : i32
      %dma_wait3A_220 = arith.constant 0 : i32
      %dma_wait3A_221 = tpu.memref_slice %arg3[%dma_wait3A_219, %dma_wait3A_220] : memref<1000000x128xf32, #tpu.memory_space<hbm>> -> memref<1000000x128xf32, #tpu.memory_space<hbm>>
      tpu.wait_indirect_dma semaphore(%arg9 : memref<!tpu.dma_semaphore, #tpu.memory_space<semaphore_mem>>) src(%dma_wait3A_221 : memref<1000000x128xf32, #tpu.memory_space<hbm>>) dst(%dma_wait3A_215 : memref<104x128xf32, #tpu.memory_space<vmem>>)
      %dma_wait3A_222 = arith.constant 0 : i32
      %dma_wait3A_223 = arith.constant 1 : i32
      %dma_wait3A_224 = arith.constant 0 : i32
      %dma_wait3A_225 = arith.constant 304 : i32
      %dma_wait3A_226 = arith.constant 0 : i32
      %dma_wait3A_227 = tpu.memref_slice %arg7[%dma_wait3A_224, %dma_wait3A_225, %dma_wait3A_226] : memref<2x400x128xf32, #tpu.memory_space<vmem>> -> memref<1x96x128xf32, #tpu.memory_space<vmem>>
      %dma_wait3A_228 = tpu.memref_squeeze %dma_wait3A_227 : memref<1x96x128xf32, #tpu.memory_space<vmem>> -> memref<96x128xf32, #tpu.memory_space<vmem>>
      %dma_wait3A_229 = arith.constant 104 : i32
      %dma_wait3A_230 = tpu.memref_slice %arg6[%dma_wait3A_222, %dma_wait3A_223, %dma_wait3A_229] : memref<2x2x200xi32, #tpu.memory_space<vmem>> -> memref<1x1x96xi32, #tpu.memory_space<vmem>>
      %dma_wait3A_231 = tpu.memref_squeeze %dma_wait3A_230 : memref<1x1x96xi32, #tpu.memory_space<vmem>> -> memref<96xi32, #tpu.memory_space<vmem>>
      %dma_wait3A_232 = arith.constant 0 : i32
      %dma_wait3A_233 = arith.constant 0 : i32
      %dma_wait3A_234 = tpu.memref_slice %arg3[%dma_wait3A_232, %dma_wait3A_233] : memref<1000000x128xf32, #tpu.memory_space<hbm>> -> memref<1000000x128xf32, #tpu.memory_space<hbm>>
      tpu.wait_indirect_dma semaphore(%arg9 : memref<!tpu.dma_semaphore, #tpu.memory_space<semaphore_mem>>) src(%dma_wait3A_234 : memref<1000000x128xf32, #tpu.memory_space<hbm>>) dst(%dma_wait3A_228 : memref<96x128xf32, #tpu.memory_space<vmem>>)
      %convert_element_type3A_235 = arith.extui %lt3A_114 : i1 to i32
      %cond3A_236 = arith.constant 0 : i32
      %cond3A_237 = arith.cmpi ne, %convert_element_type3A_235, %cond3A_236 : i32
      scf.if %cond3A_237 {
        %add3A_338 = arith.constant 2 : i32
        %add3A_339 = arith.addi %add3A_110, %add3A_338 : i32
        %mul3A_340 = arith.constant 2 : i32
        %mul3A_341 = arith.muli %add3A_339, %mul3A_340 : i32
        %dma_start3A_342 = arith.constant 0 : i32
        %dma_start3A_343 = arith.constant 0 : i32
        %dma_start3A_344 = arith.constant 0 : i32
        %dma_start3A_345 = tpu.memref_slice %arg6[%dma_start3A_342, %dma_start3A_343, %dma_start3A_344] : memref<2x2x200xi32, #tpu.memory_space<vmem>> -> memref<1x2x200xi32, #tpu.memory_space<vmem>>
        %dma_start3A_346 = tpu.memref_squeeze %dma_start3A_345 : memref<1x2x200xi32, #tpu.memory_space<vmem>> -> memref<2x200xi32, #tpu.memory_space<vmem>>
        %dma_start3A_347 = arith.constant 0 : i32
        %dma_start3A_348 = tpu.memref_slice %arg2[%mul3A_341, %dma_start3A_347] : memref<4096x200xi32, #tpu.memory_space<hbm>> -> memref<2x200xi32, #tpu.memory_space<hbm>>
        %dma_start3A_349 = arith.constant 0 : i32
        %dma_start3A_350 = arith.constant 0 : i32
        %dma_start3A_351 = tpu.memref_slice %arg6[%dma_start3A_342, %dma_start3A_349, %dma_start3A_350] : memref<2x2x200xi32, #tpu.memory_space<vmem>> -> memref<1x2x200xi32, #tpu.memory_space<vmem>>
        %dma_start3A_352 = tpu.memref_squeeze %dma_start3A_351 : memref<1x2x200xi32, #tpu.memory_space<vmem>> -> memref<2x200xi32, #tpu.memory_space<vmem>>
        %dma_start3A_353 = arith.constant 0 : i32
        %dma_start3A_354 = tpu.memref_slice %arg2[%mul3A_341, %dma_start3A_353] : memref<4096x200xi32, #tpu.memory_space<hbm>> -> memref<2x200xi32, #tpu.memory_space<hbm>>
        tpu.enqueue_dma source(%dma_start3A_354 : memref<2x200xi32, #tpu.memory_space<hbm>>) target(%dma_start3A_352 : memref<2x200xi32, #tpu.memory_space<vmem>>) target_semaphore(%arg11 : memref<!tpu.dma_semaphore, #tpu.memory_space<semaphore_mem>>)
      } else {
      }
      %scan3A_238 = arith.constant 0 : i32
      %scan3A_239 = arith.constant 0 : i32
      %scan3A_240 = arith.constant 400 : i32
      %scan3A_241 = arith.addi %scan3A_239, %scan3A_240 : i32
      %scan3A_242 = arith.constant 4 : i32
      scf.for %scan3A_338 = %scan3A_239 to %scan3A_241 step %scan3A_242  : i32 {
        %get3A = arith.index_cast %scan3A_338 : i32 to index
        %get3A_339 = arith.constant 0 : index
        %get3A_340 = tpu.vector_load %arg8[%get3A, %get3A_339] {strides = array<i32>} : memref<400x64xf32, #tpu.memory_space<vmem>>, vector<1x16xf32>,
        %get3A_341 = vector.shape_cast %get3A_340 : vector<1x16xf32> to vector<16xf32>
        %swap3A = arith.constant 0 : i32
        %swap3A_342 = arith.index_cast %swap3A : i32 to index
        %swap3A_343 = arith.index_cast %scan3A_338 : i32 to index
        %swap3A_344 = arith.constant 0 : index
        %swap3A_345 = tpu.vector_load %arg7[%swap3A_342, %swap3A_343, %swap3A_344] {strides = array<i32>} : memref<2x400x128xf32, #tpu.memory_space<vmem>>, vector<1x1x16xf32>,
        %swap3A_346 = vector.shape_cast %swap3A_345 : vector<1x1x16xf32> to vector<16xf32>
        %swap3A_347 = vector.shape_cast %get3A_341 : vector<16xf32> to vector<1x1x16xf32>
        tpu.vector_store %arg7[%swap3A_342, %swap3A_343, %swap3A_344], %swap3A_347 {add = true, strides = array<i32>} : memref<2x400x128xf32, #tpu.memory_space<vmem>>, vector<1x1x16xf32>,
        %get3A_348 = arith.index_cast %scan3A_338 : i32 to index
        %get3A_349 = arith.constant 16 : index
        %get3A_350 = tpu.vector_load %arg8[%get3A_348, %get3A_349] {strides = array<i32>} : memref<400x64xf32, #tpu.memory_space<vmem>>, vector<1x16xf32>,
        %get3A_351 = vector.shape_cast %get3A_350 : vector<1x16xf32> to vector<16xf32>
        %swap3A_352 = arith.constant 0 : i32
        %swap3A_353 = arith.index_cast %swap3A_352 : i32 to index
        %swap3A_354 = arith.index_cast %scan3A_338 : i32 to index
        %swap3A_355 = arith.constant 16 : index
        %swap3A_356 = tpu.vector_load %arg7[%swap3A_353, %swap3A_354, %swap3A_355] {strides = array<i32>} : memref<2x400x128xf32, #tpu.memory_space<vmem>>, vector<1x1x16xf32>,
        %swap3A_357 = vector.shape_cast %swap3A_356 : vector<1x1x16xf32> to vector<16xf32>
        %swap3A_358 = vector.shape_cast %get3A_351 : vector<16xf32> to vector<1x1x16xf32>
        tpu.vector_store %arg7[%swap3A_353, %swap3A_354, %swap3A_355], %swap3A_358 {add = true, strides = array<i32>} : memref<2x400x128xf32, #tpu.memory_space<vmem>>, vector<1x1x16xf32>,
        %get3A_359 = arith.index_cast %scan3A_338 : i32 to index
        %get3A_360 = arith.constant 32 : index
        %get3A_361 = tpu.vector_load %arg8[%get3A_359, %get3A_360] {strides = array<i32>} : memref<400x64xf32, #tpu.memory_space<vmem>>, vector<1x16xf32>,
        %get3A_362 = vector.shape_cast %get3A_361 : vector<1x16xf32> to vector<16xf32>
        %swap3A_363 = arith.constant 0 : i32
        %swap3A_364 = arith.index_cast %swap3A_363 : i32 to index
        %swap3A_365 = arith.index_cast %scan3A_338 : i32 to index
        %swap3A_366 = arith.constant 32 : index
        %swap3A_367 = tpu.vector_load %arg7[%swap3A_364, %swap3A_365, %swap3A_366] {strides = array<i32>} : memref<2x400x128xf32, #tpu.memory_space<vmem>>, vector<1x1x16xf32>,
        %swap3A_368 = vector.shape_cast %swap3A_367 : vector<1x1x16xf32> to vector<16xf32>
        %swap3A_369 = vector.shape_cast %get3A_362 : vector<16xf32> to vector<1x1x16xf32>
        tpu.vector_store %arg7[%swap3A_364, %swap3A_365, %swap3A_366], %swap3A_369 {add = true, strides = array<i32>} : memref<2x400x128xf32, #tpu.memory_space<vmem>>, vector<1x1x16xf32>,
        %get3A_370 = arith.index_cast %scan3A_338 : i32 to index
        %get3A_371 = arith.constant 48 : index
        %get3A_372 = tpu.vector_load %arg8[%get3A_370, %get3A_371] {strides = array<i32>} : memref<400x64xf32, #tpu.memory_space<vmem>>, vector<1x16xf32>,
        %get3A_373 = vector.shape_cast %get3A_372 : vector<1x16xf32> to vector<16xf32>
        %swap3A_374 = arith.constant 0 : i32
        %swap3A_375 = arith.index_cast %swap3A_374 : i32 to index
        %swap3A_376 = arith.index_cast %scan3A_338 : i32 to index
        %swap3A_377 = arith.constant 48 : index
        %swap3A_378 = tpu.vector_load %arg7[%swap3A_375, %swap3A_376, %swap3A_377] {strides = array<i32>} : memref<2x400x128xf32, #tpu.memory_space<vmem>>, vector<1x1x16xf32>,
        %swap3A_379 = vector.shape_cast %swap3A_378 : vector<1x1x16xf32> to vector<16xf32>
        %swap3A_380 = vector.shape_cast %get3A_373 : vector<16xf32> to vector<1x1x16xf32>
        tpu.vector_store %arg7[%swap3A_375, %swap3A_376, %swap3A_377], %swap3A_380 {add = true, strides = array<i32>} : memref<2x400x128xf32, #tpu.memory_space<vmem>>, vector<1x1x16xf32>,
        %scan3A_381 = arith.constant 1 : i32
        %scan3A_382 = arith.addi %scan3A_338, %scan3A_381 : i32
        %get3A_383 = arith.index_cast %scan3A_382 : i32 to index
        %get3A_384 = arith.constant 0 : index
        %get3A_385 = tpu.vector_load %arg8[%get3A_383, %get3A_384] {strides = array<i32>} : memref<400x64xf32, #tpu.memory_space<vmem>>, vector<1x16xf32>,
        %get3A_386 = vector.shape_cast %get3A_385 : vector<1x16xf32> to vector<16xf32>
        %swap3A_387 = arith.constant 0 : i32
        %swap3A_388 = arith.index_cast %swap3A_387 : i32 to index
        %swap3A_389 = arith.index_cast %scan3A_382 : i32 to index
        %swap3A_390 = arith.constant 0 : index
        %swap3A_391 = tpu.vector_load %arg7[%swap3A_388, %swap3A_389, %swap3A_390] {strides = array<i32>} : memref<2x400x128xf32, #tpu.memory_space<vmem>>, vector<1x1x16xf32>,
        %swap3A_392 = vector.shape_cast %swap3A_391 : vector<1x1x16xf32> to vector<16xf32>
        %swap3A_393 = vector.shape_cast %get3A_386 : vector<16xf32> to vector<1x1x16xf32>
        tpu.vector_store %arg7[%swap3A_388, %swap3A_389, %swap3A_390], %swap3A_393 {add = true, strides = array<i32>} : memref<2x400x128xf32, #tpu.memory_space<vmem>>, vector<1x1x16xf32>,
        %get3A_394 = arith.index_cast %scan3A_382 : i32 to index
        %get3A_395 = arith.constant 16 : index
        %get3A_396 = tpu.vector_load %arg8[%get3A_394, %get3A_395] {strides = array<i32>} : memref<400x64xf32, #tpu.memory_space<vmem>>, vector<1x16xf32>,
        %get3A_397 = vector.shape_cast %get3A_396 : vector<1x16xf32> to vector<16xf32>
        %swap3A_398 = arith.constant 0 : i32
        %swap3A_399 = arith.index_cast %swap3A_398 : i32 to index
        %swap3A_400 = arith.index_cast %scan3A_382 : i32 to index
        %swap3A_401 = arith.constant 16 : index
        %swap3A_402 = tpu.vector_load %arg7[%swap3A_399, %swap3A_400, %swap3A_401] {strides = array<i32>} : memref<2x400x128xf32, #tpu.memory_space<vmem>>, vector<1x1x16xf32>,
        %swap3A_403 = vector.shape_cast %swap3A_402 : vector<1x1x16xf32> to vector<16xf32>
        %swap3A_404 = vector.shape_cast %get3A_397 : vector<16xf32> to vector<1x1x16xf32>
        tpu.vector_store %arg7[%swap3A_399, %swap3A_400, %swap3A_401], %swap3A_404 {add = true, strides = array<i32>} : memref<2x400x128xf32, #tpu.memory_space<vmem>>, vector<1x1x16xf32>,
        %get3A_405 = arith.index_cast %scan3A_382 : i32 to index
        %get3A_406 = arith.constant 32 : index
        %get3A_407 = tpu.vector_load %arg8[%get3A_405, %get3A_406] {strides = array<i32>} : memref<400x64xf32, #tpu.memory_space<vmem>>, vector<1x16xf32>,
        %get3A_408 = vector.shape_cast %get3A_407 : vector<1x16xf32> to vector<16xf32>
        %swap3A_409 = arith.constant 0 : i32
        %swap3A_410 = arith.index_cast %swap3A_409 : i32 to index
        %swap3A_411 = arith.index_cast %scan3A_382 : i32 to index
        %swap3A_412 = arith.constant 32 : index
        %swap3A_413 = tpu.vector_load %arg7[%swap3A_410, %swap3A_411, %swap3A_412] {strides = array<i32>} : memref<2x400x128xf32, #tpu.memory_space<vmem>>, vector<1x1x16xf32>,
        %swap3A_414 = vector.shape_cast %swap3A_413 : vector<1x1x16xf32> to vector<16xf32>
        %swap3A_415 = vector.shape_cast %get3A_408 : vector<16xf32> to vector<1x1x16xf32>
        tpu.vector_store %arg7[%swap3A_410, %swap3A_411, %swap3A_412], %swap3A_415 {add = true, strides = array<i32>} : memref<2x400x128xf32, #tpu.memory_space<vmem>>, vector<1x1x16xf32>,
        %get3A_416 = arith.index_cast %scan3A_382 : i32 to index
        %get3A_417 = arith.constant 48 : index
        %get3A_418 = tpu.vector_load %arg8[%get3A_416, %get3A_417] {strides = array<i32>} : memref<400x64xf32, #tpu.memory_space<vmem>>, vector<1x16xf32>,
        %get3A_419 = vector.shape_cast %get3A_418 : vector<1x16xf32> to vector<16xf32>
        %swap3A_420 = arith.constant 0 : i32
        %swap3A_421 = arith.index_cast %swap3A_420 : i32 to index
        %swap3A_422 = arith.index_cast %scan3A_382 : i32 to index
        %swap3A_423 = arith.constant 48 : index
        %swap3A_424 = tpu.vector_load %arg7[%swap3A_421, %swap3A_422, %swap3A_423] {strides = array<i32>} : memref<2x400x128xf32, #tpu.memory_space<vmem>>, vector<1x1x16xf32>,
        %swap3A_425 = vector.shape_cast %swap3A_424 : vector<1x1x16xf32> to vector<16xf32>
        %swap3A_426 = vector.shape_cast %get3A_419 : vector<16xf32> to vector<1x1x16xf32>
        tpu.vector_store %arg7[%swap3A_421, %swap3A_422, %swap3A_423], %swap3A_426 {add = true, strides = array<i32>} : memref<2x400x128xf32, #tpu.memory_space<vmem>>, vector<1x1x16xf32>,
        %scan3A_427 = arith.constant 2 : i32
        %scan3A_428 = arith.addi %scan3A_338, %scan3A_427 : i32
        %get3A_429 = arith.index_cast %scan3A_428 : i32 to index
        %get3A_430 = arith.constant 0 : index
        %get3A_431 = tpu.vector_load %arg8[%get3A_429, %get3A_430] {strides = array<i32>} : memref<400x64xf32, #tpu.memory_space<vmem>>, vector<1x16xf32>,
        %get3A_432 = vector.shape_cast %get3A_431 : vector<1x16xf32> to vector<16xf32>
        %swap3A_433 = arith.constant 0 : i32
        %swap3A_434 = arith.index_cast %swap3A_433 : i32 to index
        %swap3A_435 = arith.index_cast %scan3A_428 : i32 to index
        %swap3A_436 = arith.constant 0 : index
        %swap3A_437 = tpu.vector_load %arg7[%swap3A_434, %swap3A_435, %swap3A_436] {strides = array<i32>} : memref<2x400x128xf32, #tpu.memory_space<vmem>>, vector<1x1x16xf32>,
        %swap3A_438 = vector.shape_cast %swap3A_437 : vector<1x1x16xf32> to vector<16xf32>
        %swap3A_439 = vector.shape_cast %get3A_432 : vector<16xf32> to vector<1x1x16xf32>
        tpu.vector_store %arg7[%swap3A_434, %swap3A_435, %swap3A_436], %swap3A_439 {add = true, strides = array<i32>} : memref<2x400x128xf32, #tpu.memory_space<vmem>>, vector<1x1x16xf32>,
        %get3A_440 = arith.index_cast %scan3A_428 : i32 to index
        %get3A_441 = arith.constant 16 : index
        %get3A_442 = tpu.vector_load %arg8[%get3A_440, %get3A_441] {strides = array<i32>} : memref<400x64xf32, #tpu.memory_space<vmem>>, vector<1x16xf32>,
        %get3A_443 = vector.shape_cast %get3A_442 : vector<1x16xf32> to vector<16xf32>
        %swap3A_444 = arith.constant 0 : i32
        %swap3A_445 = arith.index_cast %swap3A_444 : i32 to index
        %swap3A_446 = arith.index_cast %scan3A_428 : i32 to index
        %swap3A_447 = arith.constant 16 : index
        %swap3A_448 = tpu.vector_load %arg7[%swap3A_445, %swap3A_446, %swap3A_447] {strides = array<i32>} : memref<2x400x128xf32, #tpu.memory_space<vmem>>, vector<1x1x16xf32>,
        %swap3A_449 = vector.shape_cast %swap3A_448 : vector<1x1x16xf32> to vector<16xf32>
        %swap3A_450 = vector.shape_cast %get3A_443 : vector<16xf32> to vector<1x1x16xf32>
        tpu.vector_store %arg7[%swap3A_445, %swap3A_446, %swap3A_447], %swap3A_450 {add = true, strides = array<i32>} : memref<2x400x128xf32, #tpu.memory_space<vmem>>, vector<1x1x16xf32>,
        %get3A_451 = arith.index_cast %scan3A_428 : i32 to index
        %get3A_452 = arith.constant 32 : index
        %get3A_453 = tpu.vector_load %arg8[%get3A_451, %get3A_452] {strides = array<i32>} : memref<400x64xf32, #tpu.memory_space<vmem>>, vector<1x16xf32>,
        %get3A_454 = vector.shape_cast %get3A_453 : vector<1x16xf32> to vector<16xf32>
        %swap3A_455 = arith.constant 0 : i32
        %swap3A_456 = arith.index_cast %swap3A_455 : i32 to index
        %swap3A_457 = arith.index_cast %scan3A_428 : i32 to index
        %swap3A_458 = arith.constant 32 : index
        %swap3A_459 = tpu.vector_load %arg7[%swap3A_456, %swap3A_457, %swap3A_458] {strides = array<i32>} : memref<2x400x128xf32, #tpu.memory_space<vmem>>, vector<1x1x16xf32>,
        %swap3A_460 = vector.shape_cast %swap3A_459 : vector<1x1x16xf32> to vector<16xf32>
        %swap3A_461 = vector.shape_cast %get3A_454 : vector<16xf32> to vector<1x1x16xf32>
        tpu.vector_store %arg7[%swap3A_456, %swap3A_457, %swap3A_458], %swap3A_461 {add = true, strides = array<i32>} : memref<2x400x128xf32, #tpu.memory_space<vmem>>, vector<1x1x16xf32>,
        %get3A_462 = arith.index_cast %scan3A_428 : i32 to index
        %get3A_463 = arith.constant 48 : index
        %get3A_464 = tpu.vector_load %arg8[%get3A_462, %get3A_463] {strides = array<i32>} : memref<400x64xf32, #tpu.memory_space<vmem>>, vector<1x16xf32>,
        %get3A_465 = vector.shape_cast %get3A_464 : vector<1x16xf32> to vector<16xf32>
        %swap3A_466 = arith.constant 0 : i32
        %swap3A_467 = arith.index_cast %swap3A_466 : i32 to index
        %swap3A_468 = arith.index_cast %scan3A_428 : i32 to index
        %swap3A_469 = arith.constant 48 : index
        %swap3A_470 = tpu.vector_load %arg7[%swap3A_467, %swap3A_468, %swap3A_469] {strides = array<i32>} : memref<2x400x128xf32, #tpu.memory_space<vmem>>, vector<1x1x16xf32>,
        %swap3A_471 = vector.shape_cast %swap3A_470 : vector<1x1x16xf32> to vector<16xf32>
        %swap3A_472 = vector.shape_cast %get3A_465 : vector<16xf32> to vector<1x1x16xf32>
        tpu.vector_store %arg7[%swap3A_467, %swap3A_468, %swap3A_469], %swap3A_472 {add = true, strides = array<i32>} : memref<2x400x128xf32, #tpu.memory_space<vmem>>, vector<1x1x16xf32>,
        %scan3A_473 = arith.constant 3 : i32
        %scan3A_474 = arith.addi %scan3A_338, %scan3A_473 : i32
        %get3A_475 = arith.index_cast %scan3A_474 : i32 to index
        %get3A_476 = arith.constant 0 : index
        %get3A_477 = tpu.vector_load %arg8[%get3A_475, %get3A_476] {strides = array<i32>} : memref<400x64xf32, #tpu.memory_space<vmem>>, vector<1x16xf32>,
        %get3A_478 = vector.shape_cast %get3A_477 : vector<1x16xf32> to vector<16xf32>
        %swap3A_479 = arith.constant 0 : i32
        %swap3A_480 = arith.index_cast %swap3A_479 : i32 to index
        %swap3A_481 = arith.index_cast %scan3A_474 : i32 to index
        %swap3A_482 = arith.constant 0 : index
        %swap3A_483 = tpu.vector_load %arg7[%swap3A_480, %swap3A_481, %swap3A_482] {strides = array<i32>} : memref<2x400x128xf32, #tpu.memory_space<vmem>>, vector<1x1x16xf32>,
        %swap3A_484 = vector.shape_cast %swap3A_483 : vector<1x1x16xf32> to vector<16xf32>
        %swap3A_485 = vector.shape_cast %get3A_478 : vector<16xf32> to vector<1x1x16xf32>
        tpu.vector_store %arg7[%swap3A_480, %swap3A_481, %swap3A_482], %swap3A_485 {add = true, strides = array<i32>} : memref<2x400x128xf32, #tpu.memory_space<vmem>>, vector<1x1x16xf32>,
        %get3A_486 = arith.index_cast %scan3A_474 : i32 to index
        %get3A_487 = arith.constant 16 : index
        %get3A_488 = tpu.vector_load %arg8[%get3A_486, %get3A_487] {strides = array<i32>} : memref<400x64xf32, #tpu.memory_space<vmem>>, vector<1x16xf32>,
        %get3A_489 = vector.shape_cast %get3A_488 : vector<1x16xf32> to vector<16xf32>
        %swap3A_490 = arith.constant 0 : i32
        %swap3A_491 = arith.index_cast %swap3A_490 : i32 to index
        %swap3A_492 = arith.index_cast %scan3A_474 : i32 to index
        %swap3A_493 = arith.constant 16 : index
        %swap3A_494 = tpu.vector_load %arg7[%swap3A_491, %swap3A_492, %swap3A_493] {strides = array<i32>} : memref<2x400x128xf32, #tpu.memory_space<vmem>>, vector<1x1x16xf32>,
        %swap3A_495 = vector.shape_cast %swap3A_494 : vector<1x1x16xf32> to vector<16xf32>
        %swap3A_496 = vector.shape_cast %get3A_489 : vector<16xf32> to vector<1x1x16xf32>
        tpu.vector_store %arg7[%swap3A_491, %swap3A_492, %swap3A_493], %swap3A_496 {add = true, strides = array<i32>} : memref<2x400x128xf32, #tpu.memory_space<vmem>>, vector<1x1x16xf32>,
        %get3A_497 = arith.index_cast %scan3A_474 : i32 to index
        %get3A_498 = arith.constant 32 : index
        %get3A_499 = tpu.vector_load %arg8[%get3A_497, %get3A_498] {strides = array<i32>} : memref<400x64xf32, #tpu.memory_space<vmem>>, vector<1x16xf32>,
        %get3A_500 = vector.shape_cast %get3A_499 : vector<1x16xf32> to vector<16xf32>
        %swap3A_501 = arith.constant 0 : i32
        %swap3A_502 = arith.index_cast %swap3A_501 : i32 to index
        %swap3A_503 = arith.index_cast %scan3A_474 : i32 to index
        %swap3A_504 = arith.constant 32 : index
        %swap3A_505 = tpu.vector_load %arg7[%swap3A_502, %swap3A_503, %swap3A_504] {strides = array<i32>} : memref<2x400x128xf32, #tpu.memory_space<vmem>>, vector<1x1x16xf32>,
        %swap3A_506 = vector.shape_cast %swap3A_505 : vector<1x1x16xf32> to vector<16xf32>
        %swap3A_507 = vector.shape_cast %get3A_500 : vector<16xf32> to vector<1x1x16xf32>
        tpu.vector_store %arg7[%swap3A_502, %swap3A_503, %swap3A_504], %swap3A_507 {add = true, strides = array<i32>} : memref<2x400x128xf32, #tpu.memory_space<vmem>>, vector<1x1x16xf32>,
        %get3A_508 = arith.index_cast %scan3A_474 : i32 to index
        %get3A_509 = arith.constant 48 : index
        %get3A_510 = tpu.vector_load %arg8[%get3A_508, %get3A_509] {strides = array<i32>} : memref<400x64xf32, #tpu.memory_space<vmem>>, vector<1x16xf32>,
        %get3A_511 = vector.shape_cast %get3A_510 : vector<1x16xf32> to vector<16xf32>
        %swap3A_512 = arith.constant 0 : i32
        %swap3A_513 = arith.index_cast %swap3A_512 : i32 to index
        %swap3A_514 = arith.index_cast %scan3A_474 : i32 to index
        %swap3A_515 = arith.constant 48 : index
        %swap3A_516 = tpu.vector_load %arg7[%swap3A_513, %swap3A_514, %swap3A_515] {strides = array<i32>} : memref<2x400x128xf32, #tpu.memory_space<vmem>>, vector<1x1x16xf32>,
        %swap3A_517 = vector.shape_cast %swap3A_516 : vector<1x1x16xf32> to vector<16xf32>
        %swap3A_518 = vector.shape_cast %get3A_511 : vector<16xf32> to vector<1x1x16xf32>
        tpu.vector_store %arg7[%swap3A_513, %swap3A_514, %swap3A_515], %swap3A_518 {add = true, strides = array<i32>} : memref<2x400x128xf32, #tpu.memory_space<vmem>>, vector<1x1x16xf32>,
      }
      %scan3A_243 = arith.constant 400 : i32
      %mul3A_244 = arith.constant 400 : i32
      %mul3A_245 = arith.muli %add3A_110, %mul3A_244 : i32
      %dma_start3A_246 = arith.constant 0 : i32
      %dma_start3A_247 = arith.constant 0 : i32
      %dma_start3A_248 = arith.constant 0 : i32
      %dma_start3A_249 = tpu.memref_slice %arg7[%dma_start3A_246, %dma_start3A_247, %dma_start3A_248] : memref<2x400x128xf32, #tpu.memory_space<vmem>> -> memref<1x400x128xf32, #tpu.memory_space<vmem>>
      %dma_start3A_250 = tpu.memref_squeeze %dma_start3A_249 : memref<1x400x128xf32, #tpu.memory_space<vmem>> -> memref<400x128xf32, #tpu.memory_space<vmem>>
      %dma_start3A_251 = arith.constant 0 : i32
      %dma_start3A_252 = tpu.memref_slice %arg5[%mul3A_245, %dma_start3A_251] : memref<819200x128xf32, #tpu.memory_space<hbm>> -> memref<400x128xf32, #tpu.memory_space<hbm>>
      %dma_start3A_253 = arith.constant 0 : i32
      %dma_start3A_254 = tpu.memref_slice %arg5[%mul3A_245, %dma_start3A_253] : memref<819200x128xf32, #tpu.memory_space<hbm>> -> memref<400x128xf32, #tpu.memory_space<hbm>>
      %dma_start3A_255 = arith.constant 0 : i32
      %dma_start3A_256 = arith.constant 0 : i32
      %dma_start3A_257 = tpu.memref_slice %arg7[%dma_start3A_246, %dma_start3A_255, %dma_start3A_256] : memref<2x400x128xf32, #tpu.memory_space<vmem>> -> memref<1x400x128xf32, #tpu.memory_space<vmem>>
      %dma_start3A_258 = tpu.memref_squeeze %dma_start3A_257 : memref<1x400x128xf32, #tpu.memory_space<vmem>> -> memref<400x128xf32, #tpu.memory_space<vmem>>
      tpu.enqueue_dma source(%dma_start3A_258 : memref<400x128xf32, #tpu.memory_space<vmem>>) target(%dma_start3A_254 : memref<400x128xf32, #tpu.memory_space<hbm>>) target_semaphore(%arg13 : memref<!tpu.dma_semaphore, #tpu.memory_space<semaphore_mem>>)
      %dma_wait3A_259 = arith.constant 1 : i32
      %dma_wait3A_260 = arith.constant 0 : i32
      %dma_wait3A_261 = arith.constant 1 : i32
      %dma_wait3A_262 = arith.constant 0 : i32
      %dma_wait3A_263 = arith.constant 0 : i32
      %dma_wait3A_264 = tpu.memref_slice %arg7[%dma_wait3A_261, %dma_wait3A_262, %dma_wait3A_263] : memref<2x400x128xf32, #tpu.memory_space<vmem>> -> memref<1x104x128xf32, #tpu.memory_space<vmem>>
      %dma_wait3A_265 = tpu.memref_squeeze %dma_wait3A_264 : memref<1x104x128xf32, #tpu.memory_space<vmem>> -> memref<104x128xf32, #tpu.memory_space<vmem>>
      %dma_wait3A_266 = arith.constant 0 : i32
      %dma_wait3A_267 = tpu.memref_slice %arg6[%dma_wait3A_259, %dma_wait3A_260, %dma_wait3A_266] : memref<2x2x200xi32, #tpu.memory_space<vmem>> -> memref<1x1x104xi32, #tpu.memory_space<vmem>>
      %dma_wait3A_268 = tpu.memref_squeeze %dma_wait3A_267 : memref<1x1x104xi32, #tpu.memory_space<vmem>> -> memref<104xi32, #tpu.memory_space<vmem>>
      %dma_wait3A_269 = arith.constant 0 : i32
      %dma_wait3A_270 = arith.constant 0 : i32
      %dma_wait3A_271 = tpu.memref_slice %arg3[%dma_wait3A_269, %dma_wait3A_270] : memref<1000000x128xf32, #tpu.memory_space<hbm>> -> memref<1000000x128xf32, #tpu.memory_space<hbm>>
      tpu.wait_indirect_dma semaphore(%arg10 : memref<!tpu.dma_semaphore, #tpu.memory_space<semaphore_mem>>) src(%dma_wait3A_271 : memref<1000000x128xf32, #tpu.memory_space<hbm>>) dst(%dma_wait3A_265 : memref<104x128xf32, #tpu.memory_space<vmem>>)
      %dma_wait3A_272 = arith.constant 1 : i32
      %dma_wait3A_273 = arith.constant 0 : i32
      %dma_wait3A_274 = arith.constant 1 : i32
      %dma_wait3A_275 = arith.constant 104 : i32
      %dma_wait3A_276 = arith.constant 0 : i32
      %dma_wait3A_277 = tpu.memref_slice %arg7[%dma_wait3A_274, %dma_wait3A_275, %dma_wait3A_276] : memref<2x400x128xf32, #tpu.memory_space<vmem>> -> memref<1x96x128xf32, #tpu.memory_space<vmem>>
      %dma_wait3A_278 = tpu.memref_squeeze %dma_wait3A_277 : memref<1x96x128xf32, #tpu.memory_space<vmem>> -> memref<96x128xf32, #tpu.memory_space<vmem>>
      %dma_wait3A_279 = arith.constant 104 : i32
      %dma_wait3A_280 = tpu.memref_slice %arg6[%dma_wait3A_272, %dma_wait3A_273, %dma_wait3A_279] : memref<2x2x200xi32, #tpu.memory_space<vmem>> -> memref<1x1x96xi32, #tpu.memory_space<vmem>>
      %dma_wait3A_281 = tpu.memref_squeeze %dma_wait3A_280 : memref<1x1x96xi32, #tpu.memory_space<vmem>> -> memref<96xi32, #tpu.memory_space<vmem>>
      %dma_wait3A_282 = arith.constant 0 : i32
      %dma_wait3A_283 = arith.constant 0 : i32
      %dma_wait3A_284 = tpu.memref_slice %arg3[%dma_wait3A_282, %dma_wait3A_283] : memref<1000000x128xf32, #tpu.memory_space<hbm>> -> memref<1000000x128xf32, #tpu.memory_space<hbm>>
      tpu.wait_indirect_dma semaphore(%arg10 : memref<!tpu.dma_semaphore, #tpu.memory_space<semaphore_mem>>) src(%dma_wait3A_284 : memref<1000000x128xf32, #tpu.memory_space<hbm>>) dst(%dma_wait3A_278 : memref<96x128xf32, #tpu.memory_space<vmem>>)
      %dma_wait3A_285 = arith.constant 1 : i32
      %dma_wait3A_286 = arith.constant 1 : i32
      %dma_wait3A_287 = arith.constant 1 : i32
      %dma_wait3A_288 = arith.constant 200 : i32
      %dma_wait3A_289 = arith.constant 0 : i32
      %dma_wait3A_290 = tpu.memref_slice %arg7[%dma_wait3A_287, %dma_wait3A_288, %dma_wait3A_289] : memref<2x400x128xf32, #tpu.memory_space<vmem>> -> memref<1x104x128xf32, #tpu.memory_space<vmem>>
      %dma_wait3A_291 = tpu.memref_squeeze %dma_wait3A_290 : memref<1x104x128xf32, #tpu.memory_space<vmem>> -> memref<104x128xf32, #tpu.memory_space<vmem>>
      %dma_wait3A_292 = arith.constant 0 : i32
      %dma_wait3A_293 = tpu.memref_slice %arg6[%dma_wait3A_285, %dma_wait3A_286, %dma_wait3A_292] : memref<2x2x200xi32, #tpu.memory_space<vmem>> -> memref<1x1x104xi32, #tpu.memory_space<vmem>>
      %dma_wait3A_294 = tpu.memref_squeeze %dma_wait3A_293 : memref<1x1x104xi32, #tpu.memory_space<vmem>> -> memref<104xi32, #tpu.memory_space<vmem>>
      %dma_wait3A_295 = arith.constant 0 : i32
      %dma_wait3A_296 = arith.constant 0 : i32
      %dma_wait3A_297 = tpu.memref_slice %arg3[%dma_wait3A_295, %dma_wait3A_296] : memref<1000000x128xf32, #tpu.memory_space<hbm>> -> memref<1000000x128xf32, #tpu.memory_space<hbm>>
      tpu.wait_indirect_dma semaphore(%arg10 : memref<!tpu.dma_semaphore, #tpu.memory_space<semaphore_mem>>) src(%dma_wait3A_297 : memref<1000000x128xf32, #tpu.memory_space<hbm>>) dst(%dma_wait3A_291 : memref<104x128xf32, #tpu.memory_space<vmem>>)
      %dma_wait3A_298 = arith.constant 1 : i32
      %dma_wait3A_299 = arith.constant 1 : i32
      %dma_wait3A_300 = arith.constant 1 : i32
      %dma_wait3A_301 = arith.constant 304 : i32
      %dma_wait3A_302 = arith.constant 0 : i32
      %dma_wait3A_303 = tpu.memref_slice %arg7[%dma_wait3A_300, %dma_wait3A_301, %dma_wait3A_302] : memref<2x400x128xf32, #tpu.memory_space<vmem>> -> memref<1x96x128xf32, #tpu.memory_space<vmem>>
      %dma_wait3A_304 = tpu.memref_squeeze %dma_wait3A_303 : memref<1x96x128xf32, #tpu.memory_space<vmem>> -> memref<96x128xf32, #tpu.memory_space<vmem>>
      %dma_wait3A_305 = arith.constant 104 : i32
      %dma_wait3A_306 = tpu.memref_slice %arg6[%dma_wait3A_298, %dma_wait3A_299, %dma_wait3A_305] : memref<2x2x200xi32, #tpu.memory_space<vmem>> -> memref<1x1x96xi32, #tpu.memory_space<vmem>>
      %dma_wait3A_307 = tpu.memref_squeeze %dma_wait3A_306 : memref<1x1x96xi32, #tpu.memory_space<vmem>> -> memref<96xi32, #tpu.memory_space<vmem>>
      %dma_wait3A_308 = arith.constant 0 : i32
      %dma_wait3A_309 = arith.constant 0 : i32
      %dma_wait3A_310 = tpu.memref_slice %arg3[%dma_wait3A_308, %dma_wait3A_309] : memref<1000000x128xf32, #tpu.memory_space<hbm>> -> memref<1000000x128xf32, #tpu.memory_space<hbm>>
      tpu.wait_indirect_dma semaphore(%arg10 : memref<!tpu.dma_semaphore, #tpu.memory_space<semaphore_mem>>) src(%dma_wait3A_310 : memref<1000000x128xf32, #tpu.memory_space<hbm>>) dst(%dma_wait3A_304 : memref<96x128xf32, #tpu.memory_space<vmem>>)
      %convert_element_type3A_311 = arith.extui %lt3A_114 : i1 to i32
      %cond3A_312 = arith.constant 0 : i32
      %cond3A_313 = arith.cmpi ne, %convert_element_type3A_311, %cond3A_312 : i32
      scf.if %cond3A_313 {
        %add3A_338 = arith.constant 3 : i32
        %add3A_339 = arith.addi %add3A_110, %add3A_338 : i32
        %mul3A_340 = arith.constant 2 : i32
        %mul3A_341 = arith.muli %add3A_339, %mul3A_340 : i32
        %dma_start3A_342 = arith.constant 1 : i32
        %dma_start3A_343 = arith.constant 0 : i32
        %dma_start3A_344 = arith.constant 0 : i32
        %dma_start3A_345 = tpu.memref_slice %arg6[%dma_start3A_342, %dma_start3A_343, %dma_start3A_344] : memref<2x2x200xi32, #tpu.memory_space<vmem>> -> memref<1x2x200xi32, #tpu.memory_space<vmem>>
        %dma_start3A_346 = tpu.memref_squeeze %dma_start3A_345 : memref<1x2x200xi32, #tpu.memory_space<vmem>> -> memref<2x200xi32, #tpu.memory_space<vmem>>
        %dma_start3A_347 = arith.constant 0 : i32
        %dma_start3A_348 = tpu.memref_slice %arg2[%mul3A_341, %dma_start3A_347] : memref<4096x200xi32, #tpu.memory_space<hbm>> -> memref<2x200xi32, #tpu.memory_space<hbm>>
        %dma_start3A_349 = arith.constant 0 : i32
        %dma_start3A_350 = arith.constant 0 : i32
        %dma_start3A_351 = tpu.memref_slice %arg6[%dma_start3A_342, %dma_start3A_349, %dma_start3A_350] : memref<2x2x200xi32, #tpu.memory_space<vmem>> -> memref<1x2x200xi32, #tpu.memory_space<vmem>>
        %dma_start3A_352 = tpu.memref_squeeze %dma_start3A_351 : memref<1x2x200xi32, #tpu.memory_space<vmem>> -> memref<2x200xi32, #tpu.memory_space<vmem>>
        %dma_start3A_353 = arith.constant 0 : i32
        %dma_start3A_354 = tpu.memref_slice %arg2[%mul3A_341, %dma_start3A_353] : memref<4096x200xi32, #tpu.memory_space<hbm>> -> memref<2x200xi32, #tpu.memory_space<hbm>>
        tpu.enqueue_dma source(%dma_start3A_354 : memref<2x200xi32, #tpu.memory_space<hbm>>) target(%dma_start3A_352 : memref<2x200xi32, #tpu.memory_space<vmem>>) target_semaphore(%arg12 : memref<!tpu.dma_semaphore, #tpu.memory_space<semaphore_mem>>)
      } else {
      }
      %scan3A_314 = arith.constant 0 : i32
      %scan3A_315 = arith.constant 0 : i32
      %scan3A_316 = arith.constant 400 : i32
      %scan3A_317 = arith.addi %scan3A_315, %scan3A_316 : i32
      %scan3A_318 = arith.constant 4 : i32
      scf.for %scan3A_338 = %scan3A_315 to %scan3A_317 step %scan3A_318  : i32 {
        %get3A = arith.index_cast %scan3A_338 : i32 to index
        %get3A_339 = arith.constant 0 : index
        %get3A_340 = tpu.vector_load %arg8[%get3A, %get3A_339] {strides = array<i32>} : memref<400x64xf32, #tpu.memory_space<vmem>>, vector<1x16xf32>,
        %get3A_341 = vector.shape_cast %get3A_340 : vector<1x16xf32> to vector<16xf32>
        %swap3A = arith.constant 1 : i32
        %swap3A_342 = arith.index_cast %swap3A : i32 to index
        %swap3A_343 = arith.index_cast %scan3A_338 : i32 to index
        %swap3A_344 = arith.constant 0 : index
        %swap3A_345 = tpu.vector_load %arg7[%swap3A_342, %swap3A_343, %swap3A_344] {strides = array<i32>} : memref<2x400x128xf32, #tpu.memory_space<vmem>>, vector<1x1x16xf32>,
        %swap3A_346 = vector.shape_cast %swap3A_345 : vector<1x1x16xf32> to vector<16xf32>
        %swap3A_347 = vector.shape_cast %get3A_341 : vector<16xf32> to vector<1x1x16xf32>
        tpu.vector_store %arg7[%swap3A_342, %swap3A_343, %swap3A_344], %swap3A_347 {add = true, strides = array<i32>} : memref<2x400x128xf32, #tpu.memory_space<vmem>>, vector<1x1x16xf32>,
        %get3A_348 = arith.index_cast %scan3A_338 : i32 to index
        %get3A_349 = arith.constant 16 : index
        %get3A_350 = tpu.vector_load %arg8[%get3A_348, %get3A_349] {strides = array<i32>} : memref<400x64xf32, #tpu.memory_space<vmem>>, vector<1x16xf32>,
        %get3A_351 = vector.shape_cast %get3A_350 : vector<1x16xf32> to vector<16xf32>
        %swap3A_352 = arith.constant 1 : i32
        %swap3A_353 = arith.index_cast %swap3A_352 : i32 to index
        %swap3A_354 = arith.index_cast %scan3A_338 : i32 to index
        %swap3A_355 = arith.constant 16 : index
        %swap3A_356 = tpu.vector_load %arg7[%swap3A_353, %swap3A_354, %swap3A_355] {strides = array<i32>} : memref<2x400x128xf32, #tpu.memory_space<vmem>>, vector<1x1x16xf32>,
        %swap3A_357 = vector.shape_cast %swap3A_356 : vector<1x1x16xf32> to vector<16xf32>
        %swap3A_358 = vector.shape_cast %get3A_351 : vector<16xf32> to vector<1x1x16xf32>
        tpu.vector_store %arg7[%swap3A_353, %swap3A_354, %swap3A_355], %swap3A_358 {add = true, strides = array<i32>} : memref<2x400x128xf32, #tpu.memory_space<vmem>>, vector<1x1x16xf32>,
        %get3A_359 = arith.index_cast %scan3A_338 : i32 to index
        %get3A_360 = arith.constant 32 : index
        %get3A_361 = tpu.vector_load %arg8[%get3A_359, %get3A_360] {strides = array<i32>} : memref<400x64xf32, #tpu.memory_space<vmem>>, vector<1x16xf32>,
        %get3A_362 = vector.shape_cast %get3A_361 : vector<1x16xf32> to vector<16xf32>
        %swap3A_363 = arith.constant 1 : i32
        %swap3A_364 = arith.index_cast %swap3A_363 : i32 to index
        %swap3A_365 = arith.index_cast %scan3A_338 : i32 to index
        %swap3A_366 = arith.constant 32 : index
        %swap3A_367 = tpu.vector_load %arg7[%swap3A_364, %swap3A_365, %swap3A_366] {strides = array<i32>} : memref<2x400x128xf32, #tpu.memory_space<vmem>>, vector<1x1x16xf32>,
        %swap3A_368 = vector.shape_cast %swap3A_367 : vector<1x1x16xf32> to vector<16xf32>
        %swap3A_369 = vector.shape_cast %get3A_362 : vector<16xf32> to vector<1x1x16xf32>
        tpu.vector_store %arg7[%swap3A_364, %swap3A_365, %swap3A_366], %swap3A_369 {add = true, strides = array<i32>} : memref<2x400x128xf32, #tpu.memory_space<vmem>>, vector<1x1x16xf32>,
        %get3A_370 = arith.index_cast %scan3A_338 : i32 to index
        %get3A_371 = arith.constant 48 : index
        %get3A_372 = tpu.vector_load %arg8[%get3A_370, %get3A_371] {strides = array<i32>} : memref<400x64xf32, #tpu.memory_space<vmem>>, vector<1x16xf32>,
        %get3A_373 = vector.shape_cast %get3A_372 : vector<1x16xf32> to vector<16xf32>
        %swap3A_374 = arith.constant 1 : i32
        %swap3A_375 = arith.index_cast %swap3A_374 : i32 to index
        %swap3A_376 = arith.index_cast %scan3A_338 : i32 to index
        %swap3A_377 = arith.constant 48 : index
        %swap3A_378 = tpu.vector_load %arg7[%swap3A_375, %swap3A_376, %swap3A_377] {strides = array<i32>} : memref<2x400x128xf32, #tpu.memory_space<vmem>>, vector<1x1x16xf32>,
        %swap3A_379 = vector.shape_cast %swap3A_378 : vector<1x1x16xf32> to vector<16xf32>
        %swap3A_380 = vector.shape_cast %get3A_373 : vector<16xf32> to vector<1x1x16xf32>
        tpu.vector_store %arg7[%swap3A_375, %swap3A_376, %swap3A_377], %swap3A_380 {add = true, strides = array<i32>} : memref<2x400x128xf32, #tpu.memory_space<vmem>>, vector<1x1x16xf32>,
        %scan3A_381 = arith.constant 1 : i32
        %scan3A_382 = arith.addi %scan3A_338, %scan3A_381 : i32
        %get3A_383 = arith.index_cast %scan3A_382 : i32 to index
        %get3A_384 = arith.constant 0 : index
        %get3A_385 = tpu.vector_load %arg8[%get3A_383, %get3A_384] {strides = array<i32>} : memref<400x64xf32, #tpu.memory_space<vmem>>, vector<1x16xf32>,
        %get3A_386 = vector.shape_cast %get3A_385 : vector<1x16xf32> to vector<16xf32>
        %swap3A_387 = arith.constant 1 : i32
        %swap3A_388 = arith.index_cast %swap3A_387 : i32 to index
        %swap3A_389 = arith.index_cast %scan3A_382 : i32 to index
        %swap3A_390 = arith.constant 0 : index
        %swap3A_391 = tpu.vector_load %arg7[%swap3A_388, %swap3A_389, %swap3A_390] {strides = array<i32>} : memref<2x400x128xf32, #tpu.memory_space<vmem>>, vector<1x1x16xf32>,
        %swap3A_392 = vector.shape_cast %swap3A_391 : vector<1x1x16xf32> to vector<16xf32>
        %swap3A_393 = vector.shape_cast %get3A_386 : vector<16xf32> to vector<1x1x16xf32>
        tpu.vector_store %arg7[%swap3A_388, %swap3A_389, %swap3A_390], %swap3A_393 {add = true, strides = array<i32>} : memref<2x400x128xf32, #tpu.memory_space<vmem>>, vector<1x1x16xf32>,
        %get3A_394 = arith.index_cast %scan3A_382 : i32 to index
        %get3A_395 = arith.constant 16 : index
        %get3A_396 = tpu.vector_load %arg8[%get3A_394, %get3A_395] {strides = array<i32>} : memref<400x64xf32, #tpu.memory_space<vmem>>, vector<1x16xf32>,
        %get3A_397 = vector.shape_cast %get3A_396 : vector<1x16xf32> to vector<16xf32>
        %swap3A_398 = arith.constant 1 : i32
        %swap3A_399 = arith.index_cast %swap3A_398 : i32 to index
        %swap3A_400 = arith.index_cast %scan3A_382 : i32 to index
        %swap3A_401 = arith.constant 16 : index
        %swap3A_402 = tpu.vector_load %arg7[%swap3A_399, %swap3A_400, %swap3A_401] {strides = array<i32>} : memref<2x400x128xf32, #tpu.memory_space<vmem>>, vector<1x1x16xf32>,
        %swap3A_403 = vector.shape_cast %swap3A_402 : vector<1x1x16xf32> to vector<16xf32>
        %swap3A_404 = vector.shape_cast %get3A_397 : vector<16xf32> to vector<1x1x16xf32>
        tpu.vector_store %arg7[%swap3A_399, %swap3A_400, %swap3A_401], %swap3A_404 {add = true, strides = array<i32>} : memref<2x400x128xf32, #tpu.memory_space<vmem>>, vector<1x1x16xf32>,
        %get3A_405 = arith.index_cast %scan3A_382 : i32 to index
        %get3A_406 = arith.constant 32 : index
        %get3A_407 = tpu.vector_load %arg8[%get3A_405, %get3A_406] {strides = array<i32>} : memref<400x64xf32, #tpu.memory_space<vmem>>, vector<1x16xf32>,
        %get3A_408 = vector.shape_cast %get3A_407 : vector<1x16xf32> to vector<16xf32>
        %swap3A_409 = arith.constant 1 : i32
        %swap3A_410 = arith.index_cast %swap3A_409 : i32 to index
        %swap3A_411 = arith.index_cast %scan3A_382 : i32 to index
        %swap3A_412 = arith.constant 32 : index
        %swap3A_413 = tpu.vector_load %arg7[%swap3A_410, %swap3A_411, %swap3A_412] {strides = array<i32>} : memref<2x400x128xf32, #tpu.memory_space<vmem>>, vector<1x1x16xf32>,
        %swap3A_414 = vector.shape_cast %swap3A_413 : vector<1x1x16xf32> to vector<16xf32>
        %swap3A_415 = vector.shape_cast %get3A_408 : vector<16xf32> to vector<1x1x16xf32>
        tpu.vector_store %arg7[%swap3A_410, %swap3A_411, %swap3A_412], %swap3A_415 {add = true, strides = array<i32>} : memref<2x400x128xf32, #tpu.memory_space<vmem>>, vector<1x1x16xf32>,
        %get3A_416 = arith.index_cast %scan3A_382 : i32 to index
        %get3A_417 = arith.constant 48 : index
        %get3A_418 = tpu.vector_load %arg8[%get3A_416, %get3A_417] {strides = array<i32>} : memref<400x64xf32, #tpu.memory_space<vmem>>, vector<1x16xf32>,
        %get3A_419 = vector.shape_cast %get3A_418 : vector<1x16xf32> to vector<16xf32>
        %swap3A_420 = arith.constant 1 : i32
        %swap3A_421 = arith.index_cast %swap3A_420 : i32 to index
        %swap3A_422 = arith.index_cast %scan3A_382 : i32 to index
        %swap3A_423 = arith.constant 48 : index
        %swap3A_424 = tpu.vector_load %arg7[%swap3A_421, %swap3A_422, %swap3A_423] {strides = array<i32>} : memref<2x400x128xf32, #tpu.memory_space<vmem>>, vector<1x1x16xf32>,
        %swap3A_425 = vector.shape_cast %swap3A_424 : vector<1x1x16xf32> to vector<16xf32>
        %swap3A_426 = vector.shape_cast %get3A_419 : vector<16xf32> to vector<1x1x16xf32>
        tpu.vector_store %arg7[%swap3A_421, %swap3A_422, %swap3A_423], %swap3A_426 {add = true, strides = array<i32>} : memref<2x400x128xf32, #tpu.memory_space<vmem>>, vector<1x1x16xf32>,
        %scan3A_427 = arith.constant 2 : i32
        %scan3A_428 = arith.addi %scan3A_338, %scan3A_427 : i32
        %get3A_429 = arith.index_cast %scan3A_428 : i32 to index
        %get3A_430 = arith.constant 0 : index
        %get3A_431 = tpu.vector_load %arg8[%get3A_429, %get3A_430] {strides = array<i32>} : memref<400x64xf32, #tpu.memory_space<vmem>>, vector<1x16xf32>,
        %get3A_432 = vector.shape_cast %get3A_431 : vector<1x16xf32> to vector<16xf32>
        %swap3A_433 = arith.constant 1 : i32
        %swap3A_434 = arith.index_cast %swap3A_433 : i32 to index
        %swap3A_435 = arith.index_cast %scan3A_428 : i32 to index
        %swap3A_436 = arith.constant 0 : index
        %swap3A_437 = tpu.vector_load %arg7[%swap3A_434, %swap3A_435, %swap3A_436] {strides = array<i32>} : memref<2x400x128xf32, #tpu.memory_space<vmem>>, vector<1x1x16xf32>,
        %swap3A_438 = vector.shape_cast %swap3A_437 : vector<1x1x16xf32> to vector<16xf32>
        %swap3A_439 = vector.shape_cast %get3A_432 : vector<16xf32> to vector<1x1x16xf32>
        tpu.vector_store %arg7[%swap3A_434, %swap3A_435, %swap3A_436], %swap3A_439 {add = true, strides = array<i32>} : memref<2x400x128xf32, #tpu.memory_space<vmem>>, vector<1x1x16xf32>,
        %get3A_440 = arith.index_cast %scan3A_428 : i32 to index
        %get3A_441 = arith.constant 16 : index
        %get3A_442 = tpu.vector_load %arg8[%get3A_440, %get3A_441] {strides = array<i32>} : memref<400x64xf32, #tpu.memory_space<vmem>>, vector<1x16xf32>,
        %get3A_443 = vector.shape_cast %get3A_442 : vector<1x16xf32> to vector<16xf32>
        %swap3A_444 = arith.constant 1 : i32
        %swap3A_445 = arith.index_cast %swap3A_444 : i32 to index
        %swap3A_446 = arith.index_cast %scan3A_428 : i32 to index
        %swap3A_447 = arith.constant 16 : index
        %swap3A_448 = tpu.vector_load %arg7[%swap3A_445, %swap3A_446, %swap3A_447] {strides = array<i32>} : memref<2x400x128xf32, #tpu.memory_space<vmem>>, vector<1x1x16xf32>,
        %swap3A_449 = vector.shape_cast %swap3A_448 : vector<1x1x16xf32> to vector<16xf32>
        %swap3A_450 = vector.shape_cast %get3A_443 : vector<16xf32> to vector<1x1x16xf32>
        tpu.vector_store %arg7[%swap3A_445, %swap3A_446, %swap3A_447], %swap3A_450 {add = true, strides = array<i32>} : memref<2x400x128xf32, #tpu.memory_space<vmem>>, vector<1x1x16xf32>,
        %get3A_451 = arith.index_cast %scan3A_428 : i32 to index
        %get3A_452 = arith.constant 32 : index
        %get3A_453 = tpu.vector_load %arg8[%get3A_451, %get3A_452] {strides = array<i32>} : memref<400x64xf32, #tpu.memory_space<vmem>>, vector<1x16xf32>,
        %get3A_454 = vector.shape_cast %get3A_453 : vector<1x16xf32> to vector<16xf32>
        %swap3A_455 = arith.constant 1 : i32
        %swap3A_456 = arith.index_cast %swap3A_455 : i32 to index
        %swap3A_457 = arith.index_cast %scan3A_428 : i32 to index
        %swap3A_458 = arith.constant 32 : index
        %swap3A_459 = tpu.vector_load %arg7[%swap3A_456, %swap3A_457, %swap3A_458] {strides = array<i32>} : memref<2x400x128xf32, #tpu.memory_space<vmem>>, vector<1x1x16xf32>,
        %swap3A_460 = vector.shape_cast %swap3A_459 : vector<1x1x16xf32> to vector<16xf32>
        %swap3A_461 = vector.shape_cast %get3A_454 : vector<16xf32> to vector<1x1x16xf32>
        tpu.vector_store %arg7[%swap3A_456, %swap3A_457, %swap3A_458], %swap3A_461 {add = true, strides = array<i32>} : memref<2x400x128xf32, #tpu.memory_space<vmem>>, vector<1x1x16xf32>,
        %get3A_462 = arith.index_cast %scan3A_428 : i32 to index
        %get3A_463 = arith.constant 48 : index
        %get3A_464 = tpu.vector_load %arg8[%get3A_462, %get3A_463] {strides = array<i32>} : memref<400x64xf32, #tpu.memory_space<vmem>>, vector<1x16xf32>,
        %get3A_465 = vector.shape_cast %get3A_464 : vector<1x16xf32> to vector<16xf32>
        %swap3A_466 = arith.constant 1 : i32
        %swap3A_467 = arith.index_cast %swap3A_466 : i32 to index
        %swap3A_468 = arith.index_cast %scan3A_428 : i32 to index
        %swap3A_469 = arith.constant 48 : index
        %swap3A_470 = tpu.vector_load %arg7[%swap3A_467, %swap3A_468, %swap3A_469] {strides = array<i32>} : memref<2x400x128xf32, #tpu.memory_space<vmem>>, vector<1x1x16xf32>,
        %swap3A_471 = vector.shape_cast %swap3A_470 : vector<1x1x16xf32> to vector<16xf32>
        %swap3A_472 = vector.shape_cast %get3A_465 : vector<16xf32> to vector<1x1x16xf32>
        tpu.vector_store %arg7[%swap3A_467, %swap3A_468, %swap3A_469], %swap3A_472 {add = true, strides = array<i32>} : memref<2x400x128xf32, #tpu.memory_space<vmem>>, vector<1x1x16xf32>,
        %scan3A_473 = arith.constant 3 : i32
        %scan3A_474 = arith.addi %scan3A_338, %scan3A_473 : i32
        %get3A_475 = arith.index_cast %scan3A_474 : i32 to index
        %get3A_476 = arith.constant 0 : index
        %get3A_477 = tpu.vector_load %arg8[%get3A_475, %get3A_476] {strides = array<i32>} : memref<400x64xf32, #tpu.memory_space<vmem>>, vector<1x16xf32>,
        %get3A_478 = vector.shape_cast %get3A_477 : vector<1x16xf32> to vector<16xf32>
        %swap3A_479 = arith.constant 1 : i32
        %swap3A_480 = arith.index_cast %swap3A_479 : i32 to index
        %swap3A_481 = arith.index_cast %scan3A_474 : i32 to index
        %swap3A_482 = arith.constant 0 : index
        %swap3A_483 = tpu.vector_load %arg7[%swap3A_480, %swap3A_481, %swap3A_482] {strides = array<i32>} : memref<2x400x128xf32, #tpu.memory_space<vmem>>, vector<1x1x16xf32>,
        %swap3A_484 = vector.shape_cast %swap3A_483 : vector<1x1x16xf32> to vector<16xf32>
        %swap3A_485 = vector.shape_cast %get3A_478 : vector<16xf32> to vector<1x1x16xf32>
        tpu.vector_store %arg7[%swap3A_480, %swap3A_481, %swap3A_482], %swap3A_485 {add = true, strides = array<i32>} : memref<2x400x128xf32, #tpu.memory_space<vmem>>, vector<1x1x16xf32>,
        %get3A_486 = arith.index_cast %scan3A_474 : i32 to index
        %get3A_487 = arith.constant 16 : index
        %get3A_488 = tpu.vector_load %arg8[%get3A_486, %get3A_487] {strides = array<i32>} : memref<400x64xf32, #tpu.memory_space<vmem>>, vector<1x16xf32>,
        %get3A_489 = vector.shape_cast %get3A_488 : vector<1x16xf32> to vector<16xf32>
        %swap3A_490 = arith.constant 1 : i32
        %swap3A_491 = arith.index_cast %swap3A_490 : i32 to index
        %swap3A_492 = arith.index_cast %scan3A_474 : i32 to index
        %swap3A_493 = arith.constant 16 : index
        %swap3A_494 = tpu.vector_load %arg7[%swap3A_491, %swap3A_492, %swap3A_493] {strides = array<i32>} : memref<2x400x128xf32, #tpu.memory_space<vmem>>, vector<1x1x16xf32>,
        %swap3A_495 = vector.shape_cast %swap3A_494 : vector<1x1x16xf32> to vector<16xf32>
        %swap3A_496 = vector.shape_cast %get3A_489 : vector<16xf32> to vector<1x1x16xf32>
        tpu.vector_store %arg7[%swap3A_491, %swap3A_492, %swap3A_493], %swap3A_496 {add = true, strides = array<i32>} : memref<2x400x128xf32, #tpu.memory_space<vmem>>, vector<1x1x16xf32>,
        %get3A_497 = arith.index_cast %scan3A_474 : i32 to index
        %get3A_498 = arith.constant 32 : index
        %get3A_499 = tpu.vector_load %arg8[%get3A_497, %get3A_498] {strides = array<i32>} : memref<400x64xf32, #tpu.memory_space<vmem>>, vector<1x16xf32>,
        %get3A_500 = vector.shape_cast %get3A_499 : vector<1x16xf32> to vector<16xf32>
        %swap3A_501 = arith.constant 1 : i32
        %swap3A_502 = arith.index_cast %swap3A_501 : i32 to index
        %swap3A_503 = arith.index_cast %scan3A_474 : i32 to index
        %swap3A_504 = arith.constant 32 : index
        %swap3A_505 = tpu.vector_load %arg7[%swap3A_502, %swap3A_503, %swap3A_504] {strides = array<i32>} : memref<2x400x128xf32, #tpu.memory_space<vmem>>, vector<1x1x16xf32>,
        %swap3A_506 = vector.shape_cast %swap3A_505 : vector<1x1x16xf32> to vector<16xf32>
        %swap3A_507 = vector.shape_cast %get3A_500 : vector<16xf32> to vector<1x1x16xf32>
        tpu.vector_store %arg7[%swap3A_502, %swap3A_503, %swap3A_504], %swap3A_507 {add = true, strides = array<i32>} : memref<2x400x128xf32, #tpu.memory_space<vmem>>, vector<1x1x16xf32>,
        %get3A_508 = arith.index_cast %scan3A_474 : i32 to index
        %get3A_509 = arith.constant 48 : index
        %get3A_510 = tpu.vector_load %arg8[%get3A_508, %get3A_509] {strides = array<i32>} : memref<400x64xf32, #tpu.memory_space<vmem>>, vector<1x16xf32>,
        %get3A_511 = vector.shape_cast %get3A_510 : vector<1x16xf32> to vector<16xf32>
        %swap3A_512 = arith.constant 1 : i32
        %swap3A_513 = arith.index_cast %swap3A_512 : i32 to index
        %swap3A_514 = arith.index_cast %scan3A_474 : i32 to index
        %swap3A_515 = arith.constant 48 : index
        %swap3A_516 = tpu.vector_load %arg7[%swap3A_513, %swap3A_514, %swap3A_515] {strides = array<i32>} : memref<2x400x128xf32, #tpu.memory_space<vmem>>, vector<1x1x16xf32>,
        %swap3A_517 = vector.shape_cast %swap3A_516 : vector<1x1x16xf32> to vector<16xf32>
        %swap3A_518 = vector.shape_cast %get3A_511 : vector<16xf32> to vector<1x1x16xf32>
        tpu.vector_store %arg7[%swap3A_513, %swap3A_514, %swap3A_515], %swap3A_518 {add = true, strides = array<i32>} : memref<2x400x128xf32, #tpu.memory_space<vmem>>, vector<1x1x16xf32>,
      }
      %scan3A_319 = arith.constant 400 : i32
      %convert_element_type3A_320 = arith.extui %lt3A_114 : i1 to i32
      %cond3A_321 = arith.constant 0 : i32
      %cond3A_322 = arith.cmpi ne, %convert_element_type3A_320, %cond3A_321 : i32
      scf.if %cond3A_322 {
        %dma_wait3A_338 = arith.constant 0 : i32
        %dma_wait3A_339 = arith.constant 0 : i32
        %dma_wait3A_340 = arith.constant 0 : i32
        %dma_wait3A_341 = tpu.memref_slice %arg7[%dma_wait3A_338, %dma_wait3A_339, %dma_wait3A_340] : memref<2x400x128xf32, #tpu.memory_space<vmem>> -> memref<1x400x128xf32, #tpu.memory_space<vmem>>
        %dma_wait3A_342 = tpu.memref_squeeze %dma_wait3A_341 : memref<1x400x128xf32, #tpu.memory_space<vmem>> -> memref<400x128xf32, #tpu.memory_space<vmem>>
        %dma_wait3A_343 = arith.constant 0 : i32
        %dma_wait3A_344 = arith.constant 0 : i32
        %dma_wait3A_345 = tpu.memref_slice %arg5[%dma_wait3A_343, %dma_wait3A_344] : memref<819200x128xf32, #tpu.memory_space<hbm>> -> memref<400x128xf32, #tpu.memory_space<hbm>>
        %dma_wait3A_346 = arith.constant 0 : i32
        %dma_wait3A_347 = arith.constant 0 : i32
        %dma_wait3A_348 = tpu.memref_slice %arg5[%dma_wait3A_346, %dma_wait3A_347] : memref<819200x128xf32, #tpu.memory_space<hbm>> -> memref<400x128xf32, #tpu.memory_space<hbm>>
        %dma_wait3A_349 = arith.constant 0 : i32
        %dma_wait3A_350 = arith.constant 0 : i32
        %dma_wait3A_351 = tpu.memref_slice %arg7[%dma_wait3A_338, %dma_wait3A_349, %dma_wait3A_350] : memref<2x400x128xf32, #tpu.memory_space<vmem>> -> memref<1x400x128xf32, #tpu.memory_space<vmem>>
        %dma_wait3A_352 = tpu.memref_squeeze %dma_wait3A_351 : memref<1x400x128xf32, #tpu.memory_space<vmem>> -> memref<400x128xf32, #tpu.memory_space<vmem>>
        tpu.wait_dma2 semaphore(%arg13 : memref<!tpu.dma_semaphore, #tpu.memory_space<semaphore_mem>>) src(%dma_wait3A_352 : memref<400x128xf32, #tpu.memory_space<vmem>>) dst(%dma_wait3A_348 : memref<400x128xf32, #tpu.memory_space<hbm>>)
        %dma_wait3A_353 = arith.constant 0 : i32
        %dma_wait3A_354 = arith.constant 0 : i32
        %dma_wait3A_355 = arith.constant 0 : i32
        %dma_wait3A_356 = tpu.memref_slice %arg6[%dma_wait3A_353, %dma_wait3A_354, %dma_wait3A_355] : memref<2x2x200xi32, #tpu.memory_space<vmem>> -> memref<1x2x200xi32, #tpu.memory_space<vmem>>
        %dma_wait3A_357 = tpu.memref_squeeze %dma_wait3A_356 : memref<1x2x200xi32, #tpu.memory_space<vmem>> -> memref<2x200xi32, #tpu.memory_space<vmem>>
        %dma_wait3A_358 = arith.constant 0 : i32
        %dma_wait3A_359 = arith.constant 0 : i32
        %dma_wait3A_360 = tpu.memref_slice %arg2[%dma_wait3A_358, %dma_wait3A_359] : memref<4096x200xi32, #tpu.memory_space<hbm>> -> memref<2x200xi32, #tpu.memory_space<hbm>>
        %dma_wait3A_361 = arith.constant 0 : i32
        %dma_wait3A_362 = arith.constant 0 : i32
        %dma_wait3A_363 = tpu.memref_slice %arg6[%dma_wait3A_353, %dma_wait3A_361, %dma_wait3A_362] : memref<2x2x200xi32, #tpu.memory_space<vmem>> -> memref<1x2x200xi32, #tpu.memory_space<vmem>>
        %dma_wait3A_364 = tpu.memref_squeeze %dma_wait3A_363 : memref<1x2x200xi32, #tpu.memory_space<vmem>> -> memref<2x200xi32, #tpu.memory_space<vmem>>
        %dma_wait3A_365 = arith.constant 0 : i32
        %dma_wait3A_366 = arith.constant 0 : i32
        %dma_wait3A_367 = tpu.memref_slice %arg2[%dma_wait3A_365, %dma_wait3A_366] : memref<4096x200xi32, #tpu.memory_space<hbm>> -> memref<2x200xi32, #tpu.memory_space<hbm>>
        tpu.wait_dma2 semaphore(%arg11 : memref<!tpu.dma_semaphore, #tpu.memory_space<semaphore_mem>>) src(%dma_wait3A_367 : memref<2x200xi32, #tpu.memory_space<hbm>>) dst(%dma_wait3A_364 : memref<2x200xi32, #tpu.memory_space<vmem>>)
        %dma_start3A_368 = arith.constant 0 : i32
        %dma_start3A_369 = arith.constant 0 : i32
        %dma_start3A_370 = arith.constant 0 : i32
        %dma_start3A_371 = arith.constant 0 : i32
        %dma_start3A_372 = arith.constant 0 : i32
        %dma_start3A_373 = tpu.memref_slice %arg7[%dma_start3A_370, %dma_start3A_371, %dma_start3A_372] : memref<2x400x128xf32, #tpu.memory_space<vmem>> -> memref<1x104x128xf32, #tpu.memory_space<vmem>>
        %dma_start3A_374 = tpu.memref_squeeze %dma_start3A_373 : memref<1x104x128xf32, #tpu.memory_space<vmem>> -> memref<104x128xf32, #tpu.memory_space<vmem>>
        %dma_start3A_375 = arith.constant 0 : i32
        %dma_start3A_376 = tpu.memref_slice %arg6[%dma_start3A_368, %dma_start3A_369, %dma_start3A_375] : memref<2x2x200xi32, #tpu.memory_space<vmem>> -> memref<1x1x104xi32, #tpu.memory_space<vmem>>
        %dma_start3A_377 = tpu.memref_squeeze %dma_start3A_376 : memref<1x1x104xi32, #tpu.memory_space<vmem>> -> memref<104xi32, #tpu.memory_space<vmem>>
        %dma_start3A_378 = arith.constant 0 : i32
        %dma_start3A_379 = arith.constant 0 : i32
        %dma_start3A_380 = tpu.memref_slice %arg3[%dma_start3A_378, %dma_start3A_379] : memref<1000000x128xf32, #tpu.memory_space<hbm>> -> memref<1000000x128xf32, #tpu.memory_space<hbm>>
        tpu.enqueue_indirect_dma source(%dma_start3A_380 : memref<1000000x128xf32, #tpu.memory_space<hbm>>) target(%dma_start3A_374 : memref<104x128xf32, #tpu.memory_space<vmem>>) offsets(%dma_start3A_377 : memref<104xi32, #tpu.memory_space<vmem>>) semaphore(%arg9 : memref<!tpu.dma_semaphore, #tpu.memory_space<semaphore_mem>>)
        %dma_start3A_381 = arith.constant 0 : i32
        %dma_start3A_382 = arith.constant 0 : i32
        %dma_start3A_383 = arith.constant 0 : i32
        %dma_start3A_384 = arith.constant 104 : i32
        %dma_start3A_385 = arith.constant 0 : i32
        %dma_start3A_386 = tpu.memref_slice %arg7[%dma_start3A_383, %dma_start3A_384, %dma_start3A_385] : memref<2x400x128xf32, #tpu.memory_space<vmem>> -> memref<1x96x128xf32, #tpu.memory_space<vmem>>
        %dma_start3A_387 = tpu.memref_squeeze %dma_start3A_386 : memref<1x96x128xf32, #tpu.memory_space<vmem>> -> memref<96x128xf32, #tpu.memory_space<vmem>>
        %dma_start3A_388 = arith.constant 104 : i32
        %dma_start3A_389 = tpu.memref_slice %arg6[%dma_start3A_381, %dma_start3A_382, %dma_start3A_388] : memref<2x2x200xi32, #tpu.memory_space<vmem>> -> memref<1x1x96xi32, #tpu.memory_space<vmem>>
        %dma_start3A_390 = tpu.memref_squeeze %dma_start3A_389 : memref<1x1x96xi32, #tpu.memory_space<vmem>> -> memref<96xi32, #tpu.memory_space<vmem>>
        %dma_start3A_391 = arith.constant 0 : i32
        %dma_start3A_392 = arith.constant 0 : i32
        %dma_start3A_393 = tpu.memref_slice %arg3[%dma_start3A_391, %dma_start3A_392] : memref<1000000x128xf32, #tpu.memory_space<hbm>> -> memref<1000000x128xf32, #tpu.memory_space<hbm>>
        tpu.enqueue_indirect_dma source(%dma_start3A_393 : memref<1000000x128xf32, #tpu.memory_space<hbm>>) target(%dma_start3A_387 : memref<96x128xf32, #tpu.memory_space<vmem>>) offsets(%dma_start3A_390 : memref<96xi32, #tpu.memory_space<vmem>>) semaphore(%arg9 : memref<!tpu.dma_semaphore, #tpu.memory_space<semaphore_mem>>)
        %dma_start3A_394 = arith.constant 0 : i32
        %dma_start3A_395 = arith.constant 1 : i32
        %dma_start3A_396 = arith.constant 0 : i32
        %dma_start3A_397 = arith.constant 200 : i32
        %dma_start3A_398 = arith.constant 0 : i32
        %dma_start3A_399 = tpu.memref_slice %arg7[%dma_start3A_396, %dma_start3A_397, %dma_start3A_398] : memref<2x400x128xf32, #tpu.memory_space<vmem>> -> memref<1x104x128xf32, #tpu.memory_space<vmem>>
        %dma_start3A_400 = tpu.memref_squeeze %dma_start3A_399 : memref<1x104x128xf32, #tpu.memory_space<vmem>> -> memref<104x128xf32, #tpu.memory_space<vmem>>
        %dma_start3A_401 = arith.constant 0 : i32
        %dma_start3A_402 = tpu.memref_slice %arg6[%dma_start3A_394, %dma_start3A_395, %dma_start3A_401] : memref<2x2x200xi32, #tpu.memory_space<vmem>> -> memref<1x1x104xi32, #tpu.memory_space<vmem>>
        %dma_start3A_403 = tpu.memref_squeeze %dma_start3A_402 : memref<1x1x104xi32, #tpu.memory_space<vmem>> -> memref<104xi32, #tpu.memory_space<vmem>>
        %dma_start3A_404 = arith.constant 0 : i32
        %dma_start3A_405 = arith.constant 0 : i32
        %dma_start3A_406 = tpu.memref_slice %arg3[%dma_start3A_404, %dma_start3A_405] : memref<1000000x128xf32, #tpu.memory_space<hbm>> -> memref<1000000x128xf32, #tpu.memory_space<hbm>>
        tpu.enqueue_indirect_dma source(%dma_start3A_406 : memref<1000000x128xf32, #tpu.memory_space<hbm>>) target(%dma_start3A_400 : memref<104x128xf32, #tpu.memory_space<vmem>>) offsets(%dma_start3A_403 : memref<104xi32, #tpu.memory_space<vmem>>) semaphore(%arg9 : memref<!tpu.dma_semaphore, #tpu.memory_space<semaphore_mem>>)
        %dma_start3A_407 = arith.constant 0 : i32
        %dma_start3A_408 = arith.constant 1 : i32
        %dma_start3A_409 = arith.constant 0 : i32
        %dma_start3A_410 = arith.constant 304 : i32
        %dma_start3A_411 = arith.constant 0 : i32
        %dma_start3A_412 = tpu.memref_slice %arg7[%dma_start3A_409, %dma_start3A_410, %dma_start3A_411] : memref<2x400x128xf32, #tpu.memory_space<vmem>> -> memref<1x96x128xf32, #tpu.memory_space<vmem>>
        %dma_start3A_413 = tpu.memref_squeeze %dma_start3A_412 : memref<1x96x128xf32, #tpu.memory_space<vmem>> -> memref<96x128xf32, #tpu.memory_space<vmem>>
        %dma_start3A_414 = arith.constant 104 : i32
        %dma_start3A_415 = tpu.memref_slice %arg6[%dma_start3A_407, %dma_start3A_408, %dma_start3A_414] : memref<2x2x200xi32, #tpu.memory_space<vmem>> -> memref<1x1x96xi32, #tpu.memory_space<vmem>>
        %dma_start3A_416 = tpu.memref_squeeze %dma_start3A_415 : memref<1x1x96xi32, #tpu.memory_space<vmem>> -> memref<96xi32, #tpu.memory_space<vmem>>
        %dma_start3A_417 = arith.constant 0 : i32
        %dma_start3A_418 = arith.constant 0 : i32
        %dma_start3A_419 = tpu.memref_slice %arg3[%dma_start3A_417, %dma_start3A_418] : memref<1000000x128xf32, #tpu.memory_space<hbm>> -> memref<1000000x128xf32, #tpu.memory_space<hbm>>
        tpu.enqueue_indirect_dma source(%dma_start3A_419 : memref<1000000x128xf32, #tpu.memory_space<hbm>>) target(%dma_start3A_413 : memref<96x128xf32, #tpu.memory_space<vmem>>) offsets(%dma_start3A_416 : memref<96xi32, #tpu.memory_space<vmem>>) semaphore(%arg9 : memref<!tpu.dma_semaphore, #tpu.memory_space<semaphore_mem>>)
      } else {
      }
      %mul3A_323 = arith.constant 400 : i32
      %mul3A_324 = arith.muli %add3A_112, %mul3A_323 : i32
      %dma_start3A_325 = arith.constant 1 : i32
      %dma_start3A_326 = arith.constant 0 : i32
      %dma_start3A_327 = arith.constant 0 : i32
      %dma_start3A_328 = tpu.memref_slice %arg7[%dma_start3A_325, %dma_start3A_326, %dma_start3A_327] : memref<2x400x128xf32, #tpu.memory_space<vmem>> -> memref<1x400x128xf32, #tpu.memory_space<vmem>>
      %dma_start3A_329 = tpu.memref_squeeze %dma_start3A_328 : memref<1x400x128xf32, #tpu.memory_space<vmem>> -> memref<400x128xf32, #tpu.memory_space<vmem>>
      %dma_start3A_330 = arith.constant 0 : i32
      %dma_start3A_331 = tpu.memref_slice %arg5[%mul3A_324, %dma_start3A_330] : memref<819200x128xf32, #tpu.memory_space<hbm>> -> memref<400x128xf32, #tpu.memory_space<hbm>>
      %dma_start3A_332 = arith.constant 0 : i32
      %dma_start3A_333 = tpu.memref_slice %arg5[%mul3A_324, %dma_start3A_332] : memref<819200x128xf32, #tpu.memory_space<hbm>> -> memref<400x128xf32, #tpu.memory_space<hbm>>
      %dma_start3A_334 = arith.constant 0 : i32
      %dma_start3A_335 = arith.constant 0 : i32
      %dma_start3A_336 = tpu.memref_slice %arg7[%dma_start3A_325, %dma_start3A_334, %dma_start3A_335] : memref<2x400x128xf32, #tpu.memory_space<vmem>> -> memref<1x400x128xf32, #tpu.memory_space<vmem>>
      %dma_start3A_337 = tpu.memref_squeeze %dma_start3A_336 : memref<1x400x128xf32, #tpu.memory_space<vmem>> -> memref<400x128xf32, #tpu.memory_space<vmem>>
      tpu.enqueue_dma source(%dma_start3A_337 : memref<400x128xf32, #tpu.memory_space<vmem>>) target(%dma_start3A_333 : memref<400x128xf32, #tpu.memory_space<hbm>>) target_semaphore(%arg14 : memref<!tpu.dma_semaphore, #tpu.memory_space<semaphore_mem>>)
    }
    %scan3A_77 = arith.constant 32 : i32
    %dma_wait3A = arith.constant 0 : i32
    %dma_wait3A_78 = arith.constant 0 : i32
    %dma_wait3A_79 = arith.constant 0 : i32
    %dma_wait3A_80 = tpu.memref_slice %arg7[%dma_wait3A, %dma_wait3A_78, %dma_wait3A_79] : memref<2x400x128xf32, #tpu.memory_space<vmem>> -> memref<1x400x128xf32, #tpu.memory_space<vmem>>
    %dma_wait3A_81 = tpu.memref_squeeze %dma_wait3A_80 : memref<1x400x128xf32, #tpu.memory_space<vmem>> -> memref<400x128xf32, #tpu.memory_space<vmem>>
    %dma_wait3A_82 = arith.constant 0 : i32
    %dma_wait3A_83 = arith.constant 0 : i32
    %dma_wait3A_84 = tpu.memref_slice %arg5[%dma_wait3A_82, %dma_wait3A_83] : memref<819200x128xf32, #tpu.memory_space<hbm>> -> memref<400x128xf32, #tpu.memory_space<hbm>>
    %dma_wait3A_85 = arith.constant 0 : i32
    %dma_wait3A_86 = arith.constant 0 : i32
    %dma_wait3A_87 = tpu.memref_slice %arg5[%dma_wait3A_85, %dma_wait3A_86] : memref<819200x128xf32, #tpu.memory_space<hbm>> -> memref<400x128xf32, #tpu.memory_space<hbm>>
    %dma_wait3A_88 = arith.constant 0 : i32
    %dma_wait3A_89 = arith.constant 0 : i32
    %dma_wait3A_90 = tpu.memref_slice %arg7[%dma_wait3A, %dma_wait3A_88, %dma_wait3A_89] : memref<2x400x128xf32, #tpu.memory_space<vmem>> -> memref<1x400x128xf32, #tpu.memory_space<vmem>>
    %dma_wait3A_91 = tpu.memref_squeeze %dma_wait3A_90 : memref<1x400x128xf32, #tpu.memory_space<vmem>> -> memref<400x128xf32, #tpu.memory_space<vmem>>
    tpu.wait_dma2 semaphore(%arg13 : memref<!tpu.dma_semaphore, #tpu.memory_space<semaphore_mem>>) src(%dma_wait3A_91 : memref<400x128xf32, #tpu.memory_space<vmem>>) dst(%dma_wait3A_87 : memref<400x128xf32, #tpu.memory_space<hbm>>)
    %dma_wait3A_92 = arith.constant 1 : i32
    %dma_wait3A_93 = arith.constant 0 : i32
    %dma_wait3A_94 = arith.constant 0 : i32
    %dma_wait3A_95 = tpu.memref_slice %arg7[%dma_wait3A_92, %dma_wait3A_93, %dma_wait3A_94] : memref<2x400x128xf32, #tpu.memory_space<vmem>> -> memref<1x400x128xf32, #tpu.memory_space<vmem>>
    %dma_wait3A_96 = tpu.memref_squeeze %dma_wait3A_95 : memref<1x400x128xf32, #tpu.memory_space<vmem>> -> memref<400x128xf32, #tpu.memory_space<vmem>>
    %dma_wait3A_97 = arith.constant 0 : i32
    %dma_wait3A_98 = arith.constant 0 : i32
    %dma_wait3A_99 = tpu.memref_slice %arg5[%dma_wait3A_97, %dma_wait3A_98] : memref<819200x128xf32, #tpu.memory_space<hbm>> -> memref<400x128xf32, #tpu.memory_space<hbm>>
    %dma_wait3A_100 = arith.constant 0 : i32
    %dma_wait3A_101 = arith.constant 0 : i32
    %dma_wait3A_102 = tpu.memref_slice %arg5[%dma_wait3A_100, %dma_wait3A_101] : memref<819200x128xf32, #tpu.memory_space<hbm>> -> memref<400x128xf32, #tpu.memory_space<hbm>>
    %dma_wait3A_103 = arith.constant 0 : i32
    %dma_wait3A_104 = arith.constant 0 : i32
    %dma_wait3A_105 = tpu.memref_slice %arg7[%dma_wait3A_92, %dma_wait3A_103, %dma_wait3A_104] : memref<2x400x128xf32, #tpu.memory_space<vmem>> -> memref<1x400x128xf32, #tpu.memory_space<vmem>>
    %dma_wait3A_106 = tpu.memref_squeeze %dma_wait3A_105 : memref<1x400x128xf32, #tpu.memory_space<vmem>> -> memref<400x128xf32, #tpu.memory_space<vmem>>
    tpu.wait_dma2 semaphore(%arg14 : memref<!tpu.dma_semaphore, #tpu.memory_space<semaphore_mem>>) src(%dma_wait3A_106 : memref<400x128xf32, #tpu.memory_space<vmem>>) dst(%dma_wait3A_102 : memref<400x128xf32, #tpu.memory_space<hbm>>)
    return
  }
}

</mosaic_0001>

<sc_bundles>
// kernel: _run.3.cloned.1.call-start
scs
__scs_entry_jumppad:
0x0: {  	(pc) =	sbr.rel $0x88, $3  }
0x1: {  	(tag) =	ssettag $0x0;
	lr =	simm.s32 $0x1  }
0x2: {  	[smem:$0x3F9E] =	sst lr;
	_ =	strace $0xD0000000  }
0x3: {  	_ = 	snop  }
0x4: {  	_ = 	snop  }
0x5: {  	_ = 	snop  }
0x6: {  	_ = 	snop  }
0x7: {  	_ = 	snop  }
__scs_overlays_trampoline_lowered:
0x8: {  	[smem:$0x3FAD] =	sst s0  }
0x9: {  	[smem:$0x3FAE] =	sst s1  }
0xa: {  	[smem:$0x3FAF] =	sst s2  }
0xb: {  	[smem:$0x3FB0] =	sst s3  }
0xc: {  	[smem:$0x3FB1] =	sst s4  }
0xd: {  	[smem:$0x3FB2] =	sst s5  }
0xe: {  	[smem:$0x3FB3] =	sst s6  }
0xf: {  	[smem:$0x3FB4] =	sst s7  }
0x10: {  	[smem:$0x3FB5] =	sst s8  }
0x11: {  	[smem:$0x3FB6] =	sst s9;
	s0 =	simm.s32 @!p0 $0x0  }
0x12: {  	s1 =	sld [smem:$0x3F9C];
	s0 =	simm.s32 @p0 $0x1  }
0x13: {  	[smem:$0x3FB7] =	sst s0;
	s0 =	simm.s32 @!p1 $0x0  }
0x14: {  	s2 =	sld [smem:$0x3F9B];
	s0 =	simm.s32 @p1 $0x1  }
0x15: {  	[smem:$0x3FB8] =	sst s0;
	s0 =	simm.s32 @!p2 $0x0  }
0x16: {  	s3 =	sld [smem:$0x3FDB];
	s0 =	simm.s32 @p2 $0x1  }
0x17: {  	s4 =	simm.s32 $0x1BF5;
	[smem:$0x3FBA] =	sst s0  }
0x18: {  	s0 =	sld [smem:$0x3F9D];
	_ =	swait.ge [sflag:s4], $0x0  }
0x19: {  	s7 =	sld [smem:$0x3F9E]  }
0x1a: {  	s8 =	sadd.s32 $0xFFFFE003, lr  }
0x1b: {  	s9 =	sadd.s32 $0xFFFFFEF7, lr;
	s5 =	simm.s32 $0xFFFFFFFF;
	p2 =	slt.u32 s8, $0xFFFFF086  }
0x1c: {  	p1 =	slt.u32 s9, $0xF7A;
	s5 =	simm.s32 @!p2 $0x0  }
0x1d: {  	s5 =	simm.s32 @p1 $0x1;
	p0 =	seq.s32 s7, s2  }
0x1e: {  	s7 =	smul.u32 @!p0 $0xF7A, s2;
	p2 =	seq.s32 @!p0 s5, $0x0  }
0x1f: {  	s9 =	smul.u32 $0xF7A, s1;
	s8 =	simm.s32 @!p0 $0x1BF5;
	p2 =	por !p2, p0  }
0x20: {  	[sflag:s8] =	ssyncset.s32 @!p0 $0xFFFFF086;
	s6 =	sadd.s32 @!p0 s3, s7;
	s7 =	simm.s32 @!p0 $0x108  }
0x21: {  	s3 =	sadd.s32 s3, s9;
	s6 =	sadd.s32 @!p0 $0x88, s6;
	s7 =	simm.s32 @p2 $0x1082  }
0x22: {  	[simem:s7], [sflag:s8] =	dma.local @!p0 [hbm:s6], $0xF7A  }
0x23: {  	s9 =	sor.u32 $0xD0000000, s2;
	s6 =	simm.s32 $0x108;
	_ =	swait.ge @!p0 [sflag:s8], $0x0  }
0x24: {  	s3 =	sadd.s32 $0x88, s3;
	s6 =	simm.s32 @!p1 $0x1082;
	[sflag:s4] =	ssyncset.s32 $0xFFFFF086  }
0x25: {  	[simem:s6], [sflag:s4] =	dma.local [hbm:s3], $0xF7A  }
0x26: {  	[smem:$0x3F9E] =	sst s1;
	(tag) =	ssettag s2;
	_ =	strace s9  }
0x27: {  	s1 =	sld [smem:$0x3FAE]  }
0x28: {  	s2 =	sld [smem:$0x3FAF]  }
0x29: {  	s4 =	sld [smem:$0x3FB1]  }
0x2a: {  	p0 =	seq.s32 s5, $0x0;
	s5 =	sld [smem:$0x3FB2]  }
0x2b: {  	s6 =	sld [smem:$0x3FB3]  }
0x2c: {  	s7 =	sld [smem:$0x3FB4]  }
0x2d: {  	s3 =	simm.s32 $0x108;
	s8 =	sld [smem:$0x3FB5]  }
0x2e: {  	s3 =	simm.s32 @!p0 $0x1082;
	s9 =	sld [smem:$0x3FB6]  }
0x2f: {  	lr =	sadd.s32 s0, s3;
	s0 =	sld [smem:$0x3FAD]  }
0x30: {  	s3 =	sld [smem:$0x3FB0]  }
0x31: {  	[smem:$0x3FB9] =	sst s10  }
0x32: {  	s10 =	sld [smem:$0x3FB7];
	_ =	sdelay $0x3  }
0x33: {  	p0 =	seq.s32 s10, $0x1;
	s10 =	sld [smem:$0x3FB9];
	_ =	sdelay $0x3  }
0x34: {  	[smem:$0x3FB9] =	sst s10  }
0x35: {  	s10 =	sld [smem:$0x3FB8];
	_ =	sdelay $0x3  }
0x36: {  	p1 =	seq.s32 s10, $0x1;
	s10 =	sld [smem:$0x3FB9];
	_ =	sdelay $0x3  }
0x37: {  	[smem:$0x3FB9] =	sst s10  }
0x38: {  	s10 =	sld [smem:$0x3FBA]  }
0x39: {  	_ = 	snop;
	(pc) =	sbr.ind lr, $3  }
0x3a: {  	_ = 	snop  }
0x3b: {  	_ = 	snop  }
0x3c: {  	p2 =	seq.s32 s10, $0x1;
	s10 =	sld [smem:$0x3FB9]  }
0x3d: {  	_ =	shalt  }
0x3e: {  	_ =	shalt  }
0x3f: {  	_ =	shalt  }
0x40: {  	_ =	shalt  }
0x41: {  	_ =	shalt  }
0x42: {  	_ =	shalt  }
0x43: {  	_ =	shalt  }
0x44: {  	_ =	shalt  }
0x45: {  	_ =	shalt  }
0x46: {  	_ =	shalt  }
0x47: {  	_ =	shalt  }
0x48: {  	_ =	shalt  }
0x49: {  	_ =	shalt  }
0x4a: {  	_ =	shalt  }
0x4b: {  	_ =	shalt  }
0x4c: {  	_ =	shalt  }
0x4d: {  	_ =	shalt  }
0x4e: {  	_ =	shalt  }
0x4f: {  	_ =	shalt  }
0x50: {  	_ =	shalt  }
0x51: {  	_ =	shalt  }
0x52: {  	_ =	shalt  }
0x53: {  	_ =	shalt  }
0x54: {  	_ =	shalt  }
0x55: {  	_ =	shalt  }
0x56: {  	_ =	shalt  }
0x57: {  	_ =	shalt  }
0x58: {  	_ =	shalt  }
0x59: {  	_ =	shalt  }
0x5a: {  	_ =	shalt  }
0x5b: {  	_ =	shalt  }
0x5c: {  	_ =	shalt  }
0x5d: {  	_ =	shalt  }
0x5e: {  	_ =	shalt  }
0x5f: {  	_ =	shalt  }
0x60: {  	_ =	shalt  }
0x61: {  	_ =	shalt  }
0x62: {  	_ =	shalt  }
0x63: {  	_ =	shalt  }
0x64: {  	_ =	shalt  }
0x65: {  	_ =	shalt  }
0x66: {  	_ =	shalt  }
0x67: {  	_ =	shalt  }
0x68: {  	_ =	shalt  }
0x69: {  	_ =	shalt  }
0x6a: {  	_ =	shalt  }
0x6b: {  	_ =	shalt  }
0x6c: {  	_ =	shalt  }
0x6d: {  	_ =	shalt  }
0x6e: {  	_ =	shalt  }
0x6f: {  	_ =	shalt  }
0x70: {  	_ =	shalt  }
0x71: {  	_ =	shalt  }
0x72: {  	_ =	shalt  }
0x73: {  	_ =	shalt  }
0x74: {  	_ =	shalt  }
0x75: {  	_ =	shalt  }
0x76: {  	_ =	shalt  }
0x77: {  	_ =	shalt  }
0x78: {  	_ =	shalt  }
0x79: {  	_ =	shalt  }
0x7a: {  	_ =	shalt  }
0x7b: {  	_ =	shalt  }
0x7c: {  	_ =	shalt  }
0x7d: {  	_ =	shalt  }
0x7e: {  	_ =	shalt  }
0x7f: {  	_ =	shalt  }
0x80: {  	_ =	shalt  }
0x81: {  	_ =	shalt  }
0x82: {  	_ =	shalt  }
0x83: {  	_ =	shalt  }
0x84: {  	_ =	shalt  }
0x85: {  	_ =	shalt  }
0x86: {  	_ =	shalt  }
0x87: {  	_ =	shalt  }
.Lfunc_end0:
.L_simem_size_0:
called_computation.1_lowered:
.L_overlay_start_0:
0x88: {  	s2 =	sld [smem:$0x3FD9]  }
0x89: {  	s3 =	sld [smem:$0x3FFE];
	_ =	sdelay $0x1  }
0x8a: {  	s1 =	srdreg.scid  }
0x8b: {  	s0 =	sand.u32 $0x1, s1  }
0x8c: {  	s17 =	sshll.u32 s0, $0xA;
	s2 =	sadd.s32 s3, s2  }
0x8d: {  	s2 =	sadd.s32 s2, s17  }
0x8e: {  	[smem:$0x3FC5] =	sst s2  }
0x8f: {  	_ = 	snop  }
0x90: {  	s2 =	sld [smem:$0x3FC8]  }
0x91: {  	s18 =	sld [smem:$0x3FD0];
	(tm) =	ssettm $0x1  }
0x92: {  	s4 =	sld [smem:$0x3FFB];
	_ =	sdelay $0x3  }
0x93: {  	_ =	strace s4  }
0x94: {  	s4 =	sld [smem:$0x3FFC];
	_ =	sdelay $0x3  }
0x95: {  	_ =	strace s4  }
0x96: {  	s4 =	sld [smem:$0x3FFD];
	_ =	sdelay $0x3  }
0x97: {  	_ =	strace s4  }
0x98: {  	_ =	strace $0x8FFFFFFF  }
0x99: {  	s19 =	sld [smem:$0x3FDB];
	_ =	sdelay $0x1  }
0x9a: {  	s5 =	simm.s32 $_scs_section_size  }
0x9b: {  	s6 =	simm.s32 $_size__tile_overlayer_lowered;
	s7 =	simm.s32 $_tile_overlayer_lowered  }
0x9c: {  	s22 =	simm.s32 $0x1BFF;
	s21 =	sshll.u32 s7, $0x1;
	s4 =	sadd.s32 s5, s19  }
0x9d: {  	s8 =	simm.s32 $0x0;
	s20 =	sshll.u32 s6, $0x1;
	s6 =	sadd.s32 s21, s4  }
0x9e: {  	[timem:s8], [sflag:s22] =	dma.local [hbm:s6], s20  }
0x9f: {  	_ =	swait.ge [sflag:s22], s20  }
0xa0: {  	s5 =	ssub.s32 $0x0, s20;
	[sflag:s22] =	ssyncset.done $0x0  }
0xa1: {  	[sflag:s22] =	ssyncadd.s32 s5;
	_ =	sdelay $0x1  }
0xa2: {  	s23 =	simm.s32 $0x1B8B  }
0xa3: {  	_ =	swait.ge [sflag:s23], $0x1  }
0xa4: {  	[sflag:s23] =	ssyncset.done $0x0  }
0xa5: {  	s25 =	simm.s32 $0x1B8E;
	s24 =	sld [smem:$0x3FFE];
	[sflag:s23] =	ssyncadd.s32 $0xFFFFFFFF  }
0xa6: {  	s26 =	simm.s32 $execute0_lowered;
	[smem:$0x3FD2] =	sst s25  }
0xa7: {  	s6 =	sshll.u32 s26, $0x1;
	_ =	strace $0x80000046;
	[dreg:$0x1] =	wrdreg $0xFFFFFFFF  }
0xa8: {  	s28 =	simm.s32 $_size_execute0_lowered;
	s4 =	sadd.s32 s4, s6;
	[dreg:$0x0] =	wrdreg $0x0  }
0xa9: {  	s6 =	sshll.u32 s28, $0x1;
	[dreg:$0x2] =	wrdreg s4  }
0xaa: {  	[dreg:$0x3] =	wrdreg s6  }
0xab: {  	[dreg:$0x4] =	wrdreg $0xC0  }
0xac: {  	_ =	task [dreg:s8], $0x5FFFF  }
0xad: {  	[dreg:$0x1] =	wrdreg $0xFFFFFFFF  }
0xae: {  	[dreg:$0x0] =	wrdreg $0x60  }
0xaf: {  	[dreg:$0x2] =	wrdreg s18  }
0xb0: {  	[dreg:$0x3] =	wrdreg s2  }
0xb1: {  	[dreg:$0x4] =	wrdreg s24  }
0xb2: {  	[dreg:$0x5] =	wrdreg $0x9  }
0xb3: {  	_ =	task.clear_ibuf [dreg:s8], $0x6FFFF;
	_ =	strace $0x90000046  }
0xb4: {  	s29 =	simm.s32 $0x9;
	_ =	strace $0x80000048  }
0xb5: {  	_ =	swait.ge [sflag:s29], $0x1  }
0xb6: {  	[sflag:s29] =	ssyncadd.s32 $0xFFFFFFFF  }
0xb7: {  	_ =	strace $0x90000048  }
0xb8: {  	_ =	sfence  }
0xb9: {  	s30 =	sld [smem:$0x0];
	_ =	sdelay $0x2  }
0xba: {  	s31 =	sshll.u32 s1, $0xD;
	s1 =	sshrl.u32 s1, $0x2  }
0xbb: {  	s3 =	sand.u32 $0x4000, s31;
	s1 =	sadd.s32 s1, s30  }
0xbc: {  	s0 =	sor.u32 s3, s0;
	s1 =	sshll.u32 s1, $0x11  }
0xbd: {  	s0 =	sor.u32 s1, s0  }
0xbe: {  	s0 =	sadd.s32 $0x8F2B, s0  }
0xbf: {  	[sflag:s0] =	ssyncadd.remote.s32 $0x1  }
0xc0: {  	_ =	sfence.sel $0xFFFF  }
0xc1: {  	[dreg:$0x0] =	wrdreg $0xFFFFFFFF;
	(pc) =	sbr.abs _section_cstart, $3  }
0xc2: {  	[dreg:$0x1] =	wrdreg $0xFFFFFFFF  }
0xc3: {  	_ =	task.clear_ibuf [dreg:s8], $0x2FFFF;
	_ =	strace $0x9FFFFFFF  }
0xc4: {  	(tm) =	ssettm $0x7FFFFFFF  }
0xc5: {  	_ =	shalt  }
tec
execute0_lowered:
.L_overlay_start_1:
0x0: {  	(tag) =	ssettag $0x1  }
0x1: {  	s1 =	rddreg [dreg:$0x0]  }
0x2: {  	s3 =	rddreg [dreg:$0x1]  }
0x3: {  	s0 =	rddreg [dreg:$0x2]  }
0x4: {  	s2 =	srdreg.scid;
	s5 =	stileid.u32  }
0x5: {  	s4 =	simm.s32 $0x0;
	s12 =	simm.s32 $0x7;
	s14 =	simm.s32 $0x68  }
0x6: {  	s15 =	simm.s32 $0x320;
	s16 =	simm.s32 $0x60;
	s22 =	simm.s32 $0x190  }
0x7: {  	s23 =	simm.s32 $0x4;
	s24 =	simm.s32 $0xCB20;
	s28 =	simm.s32 $0x258  }
0x8: {  	s29 =	simm.s32 $0x12F20;
	s30 =	simm.s32 $0x2C0;
	s31 =	simm.s32 $0x16320  }
0x9: {  	s11 =	simm.s32 $0x5;
	s13 =	simm.s32 $0x6;
	s17 =	simm.s32 $0x0  }
0xa: {  	s2 =	sand.u32 $0x1, s2;
	s5 =	sshll.u32 s5, $0x1;
	[smem:$0x7FF] =	sst s4  }
0xb: {  	s6 =	sadd.s32 $0x1000, s0;
	s7 =	sor.u32 s2, s5;
	s2 =	ssub.s32 $0x2, s2  }
0xc: {  	_ =	strace $0x80000047;
	s8 =	smul.u32 $0xC80, s7;
	s25 =	sshrl.u32 s2, $0x1  }
0xd: {  	s5 =	sadd.s32 $0x800, s0;
	s7 =	sshll.u32 s7, $0x6;
	s0 =	ssub.s32 s2, s25  }
0xe: {  	s25 =	simm.s32 $0x1F8;
	s8 =	sadd.s32 s1, s8;
	s0 =	smax.u32 s0, $0x1  }
0xf: {  	s2 =	simm.s32 $0x2;
	s26 =	sadd.s32 $0x32, s8;
	[dreg:$0x5] =	wrdreg s0  }
0x10: {  	s0 =	simm.s32 $0x1;
	[dreg:$0x4] =	wrdreg s26;
	s26 =	simm.s32 $0xFF20  }
.LBB2_1:
0x11: {  	s9 =	simm.s32 $0x19320  }
0x12: {  	[tilespmem:s9], [sflag:$0x7] =	stream.linear.gather [hbm4b:s5+s4], $0x3200, $0x38;
	[tilespmem:$0x1F720] =	vst v63  }
0x13: {  	_ =	swait.ge [sflag:s12], $0x3200  }
0x14: {  	[sflag:s12] =	ssyncset.done $0x0  }
0x15: {  	s21 =	simm.s32 $0x1C520;
	[sflag:s12] =	ssyncadd.s32 $0xFFFFCE00  }
0x16: {  	[tilespmem:s21], [sflag:$0x7] =	stream.linear.gather [hbm4b:s5+s4], $0x3200, $0x38;
	[tilespmem:$0x1F720] =	vst v63  }
0x17: {  	_ =	swait.ge [sflag:s12], $0x3200  }
0x18: {  	[sflag:s12] =	ssyncset.done $0x0  }
0x19: {  	[sflag:s12] =	ssyncadd.s32 $0xFFFFCE00  }
0x1a: {  	[tilespmem:s4], [sflag:$0x7] =	stream.linear.gather [hbm4b:s8+s4], $0x190, $0x38;
	[tilespmem:$0x1F720] =	vst v63  }
0x1b: {  	_ =	swait.ge [sflag:s12], $0x190  }
0x1c: {  	[sflag:s12] =	ssyncset.done $0x0  }
0x1d: {  	[sflag:s12] =	ssyncadd.s32 $0xFFFFFE70  }
0x1e: {  	[tilespmem:s15], [sflag:$0x1] =	stream.indirect.gather [hbm4b:s3+s14], $0x80, s4, s14, $0xb8;
	[tilespmem:$0x1F720] =	vst v63  }
0x1f: {  	s10 =	simm.s32 $0x3720  }
0x20: {  	[tilespmem:s10], [sflag:$0x1] =	stream.indirect.gather [hbm4b:s3+s16], $0x80, s14, s16, $0xb8;
	[tilespmem:$0x1F720] =	vst v63  }
0x21: {  	s18 =	simm.s32 $0xC8;
	s10 =	simm.s32 $0x6720  }
0x22: {  	[tilespmem:s10], [sflag:$0x1] =	stream.indirect.gather [hbm4b:s3+s14], $0x80, s18, s14, $0xb8;
	[tilespmem:$0x1F720] =	vst v63  }
0x23: {  	s19 =	simm.s32 $0x130;
	s20 =	simm.s32 $0x9B20  }
0x24: {  	[tilespmem:s20], [sflag:$0x1] =	stream.indirect.gather [hbm4b:s3+s16], $0x80, s19, s16, $0xb8;
	[tilespmem:$0x1F720] =	vst v63  }
0x25: {  	s21 =	rddreg [dreg:$0x4];
	s18 =	simm.s32 $0x0  }
0x26: {  	[tilespmem:s22], [sflag:$0x4] =	stream.linear.gather [hbm4b:s21+s4], $0x190, $0x38;
	[tilespmem:$0x1F720] =	vst v63  }
.LBB2_2:
0x27: {  	p0 =	seq.s32 s18, $0x0  }
0x28: {  	s9 =	simm.s32 @!p0 $0x6  }
0x29: {  	_ =	swait.ge @!p0 [sflag:s9], $0xC800  }
0x2a: {  	[sflag:s9] =	ssyncset.done @!p0 $0x0  }
0x2b: {  	[sflag:s9] =	ssyncadd.s32 @!p0 $0xFFFF3800  }
0x2c: {  	_ =	swait.ge [sflag:s23], $0x190  }
0x2d: {  	[sflag:s23] =	ssyncset.done $0x0  }
0x2e: {  	[sflag:s23] =	ssyncadd.s32 $0xFFFFFE70  }
0x2f: {  	[tilespmem:s24], [sflag:$0x2] =	stream.indirect.gather [hbm4b:s3+s14], $0x80, s22, s14, $0xb8;
	[tilespmem:$0x1F720] =	vst v63  }
0x30: {  	_ = 	snop  }
0x31: {  	[tilespmem:s26], [sflag:$0x2] =	stream.indirect.gather [hbm4b:s3+s16], $0x80, s25, s16, $0xb8;
	[tilespmem:$0x1F720] =	vst v63  }
0x32: {  	_ = 	snop  }
0x33: {  	[tilespmem:s29], [sflag:$0x2] =	stream.indirect.gather [hbm4b:s3+s14], $0x80, s28, s14, $0xb8;
	[tilespmem:$0x1F720] =	vst v63  }
0x34: {  	_ = 	snop  }
0x35: {  	[tilespmem:s31], [sflag:$0x2] =	stream.indirect.gather [hbm4b:s3+s16], $0x80, s30, s16, $0xb8;
	[tilespmem:$0x1F720] =	vst v63  }
0x36: {  	_ =	swait.ge [sflag:s0], $0x3400  }
0x37: {  	[sflag:s0] =	ssyncset.done $0x0  }
0x38: {  	[sflag:s0] =	ssyncadd.s32 $0xFFFFCC00  }
0x39: {  	_ =	swait.ge [sflag:s0], $0x3000  }
0x3a: {  	[sflag:s0] =	ssyncset.done $0x0  }
0x3b: {  	s21 =	sshll.u32 s18, $0x1;
	[sflag:s0] =	ssyncadd.s32 $0xFFFFD000  }
0x3c: {  	s19 =	sadd.s32 s7, s21;
	p0 =	seq.s32 s18, $0x1F;
	_ =	swait.ge [sflag:s0], $0x3400  }
0x3d: {  	s9 =	smul.u32 @!p0 $0x190, s19;
	[sflag:s0] =	ssyncset.done $0x0  }
0x3e: {  	[sflag:s0] =	ssyncadd.s32 $0xFFFFCC00  }
0x3f: {  	s9 =	sshrl.u32 @!p0 s9, $0x3;
	_ =	swait.ge [sflag:s0], $0x3000  }
0x40: {  	s20 =	sadd.s32 @!p0 s1, s9;
	[sflag:s0] =	ssyncset.done $0x0  }
0x41: {  	s10 =	simm.s32 @!p0 $0x0;
	s9 =	sadd.s32 @!p0 $0x64, s20;
	[sflag:s0] =	ssyncadd.s32 $0xFFFFD000  }
0x42: {  	[tilespmem:s10], [sflag:$0x3] =	stream.linear.gather @!p0 [hbm4b:s9+s10], $0x190, $0x38;
	[tilespmem:$0x1F720] =	vst v63  }
0x43: {  	s10 =	simm.s32 $0x193A0  }
0x44: {  	v0 =	vld [tilespmem:s10+$0xFFFFFF80];
	_ =	sdelay $0x3  }
0x45: {  	s21 =	simm.s32 $0x4D0  }
0x46: {  	[tilespmem:s21+$0xFFFFFE50] =	vst.add.f32.msk $0xffff, v0  }
0x47: {  	v0 =	vld [tilespmem:s10+$0xFFFFFF90];
	_ =	sdelay $0x4  }
0x48: {  	[tilespmem:s21+$0xFFFFFE60] =	vst.add.f32.msk $0xffff, v0  }
0x49: {  	v0 =	vld [tilespmem:s10+$0xFFFFFFA0];
	_ =	sdelay $0x4  }
0x4a: {  	[tilespmem:s21+$0xFFFFFE70] =	vst.add.f32.msk $0xffff, v0  }
0x4b: {  	v0 =	vld [tilespmem:s10+$0xFFFFFFB0];
	_ =	sdelay $0x4  }
0x4c: {  	[tilespmem:s21+$0xFFFFFE80] =	vst.add.f32.msk $0xffff, v0  }
0x4d: {  	v0 =	vld [tilespmem:s10+$0xFFFFFFC0];
	_ =	sdelay $0x4  }
0x4e: {  	[tilespmem:s21+$0xFFFFFED0] =	vst.add.f32.msk $0xffff, v0  }
0x4f: {  	v0 =	vld [tilespmem:s10+$0xFFFFFFD0];
	_ =	sdelay $0x4  }
0x50: {  	[tilespmem:s21+$0xFFFFFEE0] =	vst.add.f32.msk $0xffff, v0  }
0x51: {  	v0 =	vld [tilespmem:s10+$0xFFFFFFE0];
	_ =	sdelay $0x4  }
0x52: {  	[tilespmem:s21+$0xFFFFFEF0] =	vst.add.f32.msk $0xffff, v0  }
0x53: {  	v0 =	vld [tilespmem:s10+$0xFFFFFFF0];
	_ =	sdelay $0x4  }
0x54: {  	[tilespmem:s21+$0xFFFFFF00] =	vst.add.f32.msk $0xffff, v0  }
0x55: {  	v0 =	vld [tilespmem:s10+$0x0];
	_ =	sdelay $0x4  }
0x56: {  	[tilespmem:s21+$0xFFFFFF50] =	vst.add.f32.msk $0xffff, v0  }
0x57: {  	v0 =	vld [tilespmem:s10+$0x10];
	_ =	sdelay $0x4  }
0x58: {  	[tilespmem:s21+$0xFFFFFF60] =	vst.add.f32.msk $0xffff, v0  }
0x59: {  	v0 =	vld [tilespmem:s10+$0x20];
	_ =	sdelay $0x4  }
0x5a: {  	[tilespmem:s21+$0xFFFFFF70] =	vst.add.f32.msk $0xffff, v0  }
0x5b: {  	v0 =	vld [tilespmem:s10+$0x30];
	_ =	sdelay $0x4  }
0x5c: {  	[tilespmem:s21+$0xFFFFFF80] =	vst.add.f32.msk $0xffff, v0  }
0x5d: {  	v0 =	vld [tilespmem:s10+$0x40];
	_ =	sdelay $0x4  }
0x5e: {  	[tilespmem:s21+$0xFFFFFFD0] =	vst.add.f32.msk $0xffff, v0  }
0x5f: {  	v0 =	vld [tilespmem:s10+$0x50];
	_ =	sdelay $0x4  }
0x60: {  	[tilespmem:s21+$0xFFFFFFE0] =	vst.add.f32.msk $0xffff, v0  }
0x61: {  	v0 =	vld [tilespmem:s10+$0x60];
	_ =	sdelay $0x4  }
0x62: {  	[tilespmem:s21+$0xFFFFFFF0] =	vst.add.f32.msk $0xffff, v0  }
0x63: {  	v0 =	vld [tilespmem:s10+$0x70];
	_ =	sdelay $0x4  }
0x64: {  	s9 =	simm.s32 $0x0;
	s10 =	simm.s32 $0x194A0;
	[tilespmem:s21+$0x0] =	vst.add.f32.msk $0xffff, v0  }
.LBB2_3:
0x65: {  	v0 =	vld [tilespmem:s10+$0xFFFFFF80];
	s9 =	sadd.s32 $0x4, s9  }
0x66: {  	p1 =	slt.u32 s9, $0x18C;
	_ =	sdelay $0x2  }
0x67: {  	s21 =	sadd.s32 $0x200, s21  }
0x68: {  	[tilespmem:s21+$0xFFFFFE50] =	vst.add.f32.msk $0xffff, v0  }
0x69: {  	v0 =	vld [tilespmem:s10+$0xFFFFFF90];
	_ =	sdelay $0x4  }
0x6a: {  	[tilespmem:s21+$0xFFFFFE60] =	vst.add.f32.msk $0xffff, v0  }
0x6b: {  	v0 =	vld [tilespmem:s10+$0xFFFFFFA0];
	_ =	sdelay $0x4  }
0x6c: {  	[tilespmem:s21+$0xFFFFFE70] =	vst.add.f32.msk $0xffff, v0  }
0x6d: {  	v0 =	vld [tilespmem:s10+$0xFFFFFFB0];
	_ =	sdelay $0x4  }
0x6e: {  	[tilespmem:s21+$0xFFFFFE80] =	vst.add.f32.msk $0xffff, v0  }
0x6f: {  	v0 =	vld [tilespmem:s10+$0xFFFFFFC0];
	_ =	sdelay $0x4  }
0x70: {  	[tilespmem:s21+$0xFFFFFED0] =	vst.add.f32.msk $0xffff, v0  }
0x71: {  	v0 =	vld [tilespmem:s10+$0xFFFFFFD0];
	_ =	sdelay $0x4  }
0x72: {  	[tilespmem:s21+$0xFFFFFEE0] =	vst.add.f32.msk $0xffff, v0  }
0x73: {  	v0 =	vld [tilespmem:s10+$0xFFFFFFE0];
	_ =	sdelay $0x4  }
0x74: {  	[tilespmem:s21+$0xFFFFFEF0] =	vst.add.f32.msk $0xffff, v0  }
0x75: {  	v0 =	vld [tilespmem:s10+$0xFFFFFFF0];
	_ =	sdelay $0x4  }
0x76: {  	[tilespmem:s21+$0xFFFFFF00] =	vst.add.f32.msk $0xffff, v0  }
0x77: {  	v0 =	vld [tilespmem:s10+$0x0];
	_ =	sdelay $0x4  }
0x78: {  	[tilespmem:s21+$0xFFFFFF50] =	vst.add.f32.msk $0xffff, v0  }
0x79: {  	v0 =	vld [tilespmem:s10+$0x10];
	_ =	sdelay $0x4  }
0x7a: {  	[tilespmem:s21+$0xFFFFFF60] =	vst.add.f32.msk $0xffff, v0  }
0x7b: {  	v0 =	vld [tilespmem:s10+$0x20];
	_ =	sdelay $0x4  }
0x7c: {  	[tilespmem:s21+$0xFFFFFF70] =	vst.add.f32.msk $0xffff, v0  }
0x7d: {  	v0 =	vld [tilespmem:s10+$0x30];
	_ =	sdelay $0x4  }
0x7e: {  	[tilespmem:s21+$0xFFFFFF80] =	vst.add.f32.msk $0xffff, v0  }
0x7f: {  	v0 =	vld [tilespmem:s10+$0x40];
	_ =	sdelay $0x4  }
0x80: {  	[tilespmem:s21+$0xFFFFFFD0] =	vst.add.f32.msk $0xffff, v0  }
0x81: {  	v0 =	vld [tilespmem:s10+$0x50];
	_ =	sdelay $0x4  }
0x82: {  	[tilespmem:s21+$0xFFFFFFE0] =	vst.add.f32.msk $0xffff, v0  }
0x83: {  	v0 =	vld [tilespmem:s10+$0x60];
	_ =	sdelay $0x4  }
0x84: {  	[tilespmem:s21+$0xFFFFFFF0] =	vst.add.f32.msk $0xffff, v0  }
0x85: {  	v0 =	vld [tilespmem:s10+$0x70]  }
.Ltmp0:
0x86: {  	(pc) =	sbr.rel @p1 .LBB2_3-.Ltmp0, $2  }
0x87: {  	_ =	sdelay $0x2  }
0x88: {  	s10 =	sadd.s32 $0x100, s10;
	[tilespmem:s21+$0x0] =	vst.add.f32.msk $0xffff, v0  }
0x89: {  	s9 =	smul.u32 $0x1900, s19;
	_ =	sdelay $0x1  }
0x8a: {  	s9 =	sadd.s32 s6, s9  }
0x8b: {  	[hbm4b:s9+s4] =	stream.linear.scatter [tilespmem:s15], [sflag:$0x5], $0xC800, $0x38;
	[tilespmem:$0x1F720] =	vst v63  }
0x8c: {  	_ =	swait.ge [sflag:s2], $0x3400  }
0x8d: {  	[sflag:s2] =	ssyncset.done $0x0  }
0x8e: {  	[sflag:s2] =	ssyncadd.s32 $0xFFFFCC00  }
0x8f: {  	_ =	swait.ge [sflag:s2], $0x3000  }
0x90: {  	[sflag:s2] =	ssyncset.done $0x0  }
0x91: {  	[sflag:s2] =	ssyncadd.s32 $0xFFFFD000  }
0x92: {  	_ =	swait.ge [sflag:s2], $0x3400  }
0x93: {  	[sflag:s2] =	ssyncset.done $0x0  }
0x94: {  	[sflag:s2] =	ssyncadd.s32 $0xFFFFCC00  }
0x95: {  	_ =	swait.ge [sflag:s2], $0x3000  }
0x96: {  	s10 =	simm.s32 @!p0 $0x0;
	s21 =	simm.s32 $0x193A0;
	[sflag:s2] =	ssyncset.done $0x0  }
0x97: {  	s9 =	sadd.s32 @!p0 $0x96, s20;
	s20 =	simm.s32 @!p0 $0x190;
	[sflag:s2] =	ssyncadd.s32 $0xFFFFD000  }
0x98: {  	[tilespmem:s20], [sflag:$0x4] =	stream.linear.gather @!p0 [hbm4b:s9+s10], $0x190, $0x38;
	[tilespmem:$0x1F720] =	vst v63  }
0x99: {  	v0 =	vld [tilespmem:s21+$0xFFFFFF80];
	_ =	sdelay $0x3  }
0x9a: {  	s20 =	simm.s32 $0xCCD0  }
0x9b: {  	[tilespmem:s20+$0xFFFFFE50] =	vst.add.f32.msk $0xffff, v0  }
0x9c: {  	v0 =	vld [tilespmem:s21+$0xFFFFFF90];
	_ =	sdelay $0x4  }
0x9d: {  	[tilespmem:s20+$0xFFFFFE60] =	vst.add.f32.msk $0xffff, v0  }
0x9e: {  	v0 =	vld [tilespmem:s21+$0xFFFFFFA0];
	_ =	sdelay $0x4  }
0x9f: {  	[tilespmem:s20+$0xFFFFFE70] =	vst.add.f32.msk $0xffff, v0  }
0xa0: {  	v0 =	vld [tilespmem:s21+$0xFFFFFFB0];
	_ =	sdelay $0x4  }
0xa1: {  	[tilespmem:s20+$0xFFFFFE80] =	vst.add.f32.msk $0xffff, v0  }
0xa2: {  	v0 =	vld [tilespmem:s21+$0xFFFFFFC0];
	_ =	sdelay $0x4  }
0xa3: {  	[tilespmem:s20+$0xFFFFFED0] =	vst.add.f32.msk $0xffff, v0  }
0xa4: {  	v0 =	vld [tilespmem:s21+$0xFFFFFFD0];
	_ =	sdelay $0x4  }
0xa5: {  	[tilespmem:s20+$0xFFFFFEE0] =	vst.add.f32.msk $0xffff, v0  }
0xa6: {  	v0 =	vld [tilespmem:s21+$0xFFFFFFE0];
	_ =	sdelay $0x4  }
0xa7: {  	[tilespmem:s20+$0xFFFFFEF0] =	vst.add.f32.msk $0xffff, v0  }
0xa8: {  	v0 =	vld [tilespmem:s21+$0xFFFFFFF0];
	_ =	sdelay $0x4  }
0xa9: {  	[tilespmem:s20+$0xFFFFFF00] =	vst.add.f32.msk $0xffff, v0  }
0xaa: {  	v0 =	vld [tilespmem:s21+$0x0];
	_ =	sdelay $0x4  }
0xab: {  	[tilespmem:s20+$0xFFFFFF50] =	vst.add.f32.msk $0xffff, v0  }
0xac: {  	v0 =	vld [tilespmem:s21+$0x10];
	_ =	sdelay $0x4  }
0xad: {  	[tilespmem:s20+$0xFFFFFF60] =	vst.add.f32.msk $0xffff, v0  }
0xae: {  	v0 =	vld [tilespmem:s21+$0x20];
	_ =	sdelay $0x4  }
0xaf: {  	[tilespmem:s20+$0xFFFFFF70] =	vst.add.f32.msk $0xffff, v0  }
0xb0: {  	v0 =	vld [tilespmem:s21+$0x30];
	_ =	sdelay $0x4  }
0xb1: {  	[tilespmem:s20+$0xFFFFFF80] =	vst.add.f32.msk $0xffff, v0  }
0xb2: {  	v0 =	vld [tilespmem:s21+$0x40];
	_ =	sdelay $0x4  }
0xb3: {  	[tilespmem:s20+$0xFFFFFFD0] =	vst.add.f32.msk $0xffff, v0  }
0xb4: {  	v0 =	vld [tilespmem:s21+$0x50];
	_ =	sdelay $0x4  }
0xb5: {  	[tilespmem:s20+$0xFFFFFFE0] =	vst.add.f32.msk $0xffff, v0  }
0xb6: {  	v0 =	vld [tilespmem:s21+$0x60];
	_ =	sdelay $0x4  }
0xb7: {  	[tilespmem:s20+$0xFFFFFFF0] =	vst.add.f32.msk $0xffff, v0  }
0xb8: {  	v0 =	vld [tilespmem:s21+$0x70];
	_ =	sdelay $0x4  }
0xb9: {  	s9 =	simm.s32 $0x0;
	s10 =	simm.s32 $0x194A0;
	[tilespmem:s20+$0x0] =	vst.add.f32.msk $0xffff, v0  }
.LBB2_5:
0xba: {  	v0 =	vld [tilespmem:s10+$0xFFFFFF80];
	s9 =	sadd.s32 $0x4, s9  }
0xbb: {  	p1 =	slt.u32 s9, $0x18C;
	_ =	sdelay $0x2  }
0xbc: {  	s20 =	sadd.s32 $0x200, s20  }
0xbd: {  	[tilespmem:s20+$0xFFFFFE50] =	vst.add.f32.msk $0xffff, v0  }
0xbe: {  	v0 =	vld [tilespmem:s10+$0xFFFFFF90];
	_ =	sdelay $0x4  }
0xbf: {  	[tilespmem:s20+$0xFFFFFE60] =	vst.add.f32.msk $0xffff, v0  }
0xc0: {  	v0 =	vld [tilespmem:s10+$0xFFFFFFA0];
	_ =	sdelay $0x4  }
0xc1: {  	[tilespmem:s20+$0xFFFFFE70] =	vst.add.f32.msk $0xffff, v0  }
0xc2: {  	v0 =	vld [tilespmem:s10+$0xFFFFFFB0];
	_ =	sdelay $0x4  }
0xc3: {  	[tilespmem:s20+$0xFFFFFE80] =	vst.add.f32.msk $0xffff, v0  }
0xc4: {  	v0 =	vld [tilespmem:s10+$0xFFFFFFC0];
	_ =	sdelay $0x4  }
0xc5: {  	[tilespmem:s20+$0xFFFFFED0] =	vst.add.f32.msk $0xffff, v0  }
0xc6: {  	v0 =	vld [tilespmem:s10+$0xFFFFFFD0];
	_ =	sdelay $0x4  }
0xc7: {  	[tilespmem:s20+$0xFFFFFEE0] =	vst.add.f32.msk $0xffff, v0  }
0xc8: {  	v0 =	vld [tilespmem:s10+$0xFFFFFFE0];
	_ =	sdelay $0x4  }
0xc9: {  	[tilespmem:s20+$0xFFFFFEF0] =	vst.add.f32.msk $0xffff, v0  }
0xca: {  	v0 =	vld [tilespmem:s10+$0xFFFFFFF0];
	_ =	sdelay $0x4  }
0xcb: {  	[tilespmem:s20+$0xFFFFFF00] =	vst.add.f32.msk $0xffff, v0  }
0xcc: {  	v0 =	vld [tilespmem:s10+$0x0];
	_ =	sdelay $0x4  }
0xcd: {  	[tilespmem:s20+$0xFFFFFF50] =	vst.add.f32.msk $0xffff, v0  }
0xce: {  	v0 =	vld [tilespmem:s10+$0x10];
	_ =	sdelay $0x4  }
0xcf: {  	[tilespmem:s20+$0xFFFFFF60] =	vst.add.f32.msk $0xffff, v0  }
0xd0: {  	v0 =	vld [tilespmem:s10+$0x20];
	_ =	sdelay $0x4  }
0xd1: {  	[tilespmem:s20+$0xFFFFFF70] =	vst.add.f32.msk $0xffff, v0  }
0xd2: {  	v0 =	vld [tilespmem:s10+$0x30];
	_ =	sdelay $0x4  }
0xd3: {  	[tilespmem:s20+$0xFFFFFF80] =	vst.add.f32.msk $0xffff, v0  }
0xd4: {  	v0 =	vld [tilespmem:s10+$0x40];
	_ =	sdelay $0x4  }
0xd5: {  	[tilespmem:s20+$0xFFFFFFD0] =	vst.add.f32.msk $0xffff, v0  }
0xd6: {  	v0 =	vld [tilespmem:s10+$0x50];
	_ =	sdelay $0x4  }
0xd7: {  	[tilespmem:s20+$0xFFFFFFE0] =	vst.add.f32.msk $0xffff, v0  }
0xd8: {  	v0 =	vld [tilespmem:s10+$0x60];
	_ =	sdelay $0x4  }
0xd9: {  	[tilespmem:s20+$0xFFFFFFF0] =	vst.add.f32.msk $0xffff, v0  }
0xda: {  	v0 =	vld [tilespmem:s10+$0x70]  }
.Ltmp1:
0xdb: {  	(pc) =	sbr.rel @p1 .LBB2_5-.Ltmp1, $2  }
0xdc: {  	_ =	sdelay $0x2  }
0xdd: {  	s10 =	sadd.s32 $0x100, s10;
	[tilespmem:s20+$0x0] =	vst.add.f32.msk $0xffff, v0  }
0xde: {  	s9 =	simm.s32 @!p0 $0x5  }
0xdf: {  	_ =	swait.ge @!p0 [sflag:s9], $0xC800  }
0xe0: {  	[sflag:s9] =	ssyncset.done @!p0 $0x0  }
0xe1: {  	[sflag:s9] =	ssyncadd.s32 @!p0 $0xFFFF3800;
	s9 =	simm.s32 @!p0 $0x3  }
0xe2: {  	_ =	swait.ge @!p0 [sflag:s9], $0x190  }
0xe3: {  	s10 =	simm.s32 @!p0 $0x0;
	[sflag:s9] =	ssyncset.done @!p0 $0x0  }
0xe4: {  	s20 =	simm.s32 @!p0 $0x320;
	[sflag:s9] =	ssyncadd.s32 @!p0 $0xFFFFFE70;
	s9 =	simm.s32 @!p0 $0x68  }
0xe5: {  	[tilespmem:s20], [sflag:$0x1] =	stream.indirect.gather @!p0 [hbm4b:s3+s9], $0x80, s10, s9, $0xb8;
	[tilespmem:$0x1F720] =	vst v63  }
0xe6: {  	s10 =	simm.s32 @!p0 $0x60;
	s20 =	simm.s32 @!p0 $0x3720  }
0xe7: {  	[tilespmem:s20], [sflag:$0x1] =	stream.indirect.gather @!p0 [hbm4b:s3+s10], $0x80, s9, s10, $0xb8;
	[tilespmem:$0x1F720] =	vst v63  }
0xe8: {  	s21 =	simm.s32 @!p0 $0x6720;
	s20 =	simm.s32 @!p0 $0xC8  }
0xe9: {  	[tilespmem:s21], [sflag:$0x1] =	stream.indirect.gather @!p0 [hbm4b:s3+s9], $0x80, s20, s9, $0xb8;
	[tilespmem:$0x1F720] =	vst v63  }
0xea: {  	s18 =	sadd.s32 $0x1, s18;
	s9 =	simm.s32 @!p0 $0x130;
	s20 =	simm.s32 @!p0 $0x9B20  }
0xeb: {  	[tilespmem:s20], [sflag:$0x1] =	stream.indirect.gather @!p0 [hbm4b:s3+s10], $0x80, s9, s10, $0xb8;
	[tilespmem:$0x1F720] =	vst v63  }
0xec: {  	s19 =	smul.u32 $0xC800, s19;
	p0 =	sne.s32 s18, $0x20  }
.Ltmp2:
0xed: {  	_ = 	snop;
	(pc) =	sbr.rel @p0 .LBB2_2-.Ltmp2, $4  }
0xee: {  	s21 =	sshrl.u32 s19, $0x3  }
0xef: {  	s9 =	sadd.s32 s6, s21  }
0xf0: {  	s9 =	sadd.s32 $0x1900, s9  }
0xf1: {  	[hbm4b:s9+s4] =	stream.linear.scatter [tilespmem:s24], [sflag:$0x6], $0xC800, $0x38;
	[tilespmem:$0x1F720] =	vst v63  }
0xf2: {  	_ =	swait.ge [sflag:s11], $0xC800  }
0xf3: {  	[sflag:s11] =	ssyncset.done $0x0  }
0xf4: {  	[sflag:s11] =	ssyncadd.s32 $0xFFFF3800  }
0xf5: {  	_ =	swait.ge [sflag:s13], $0xC800  }
0xf6: {  	s17 =	sadd.s32 $0x1, s17;
	s9 =	rddreg [dreg:$0x5]  }
0xf7: {  	p0 =	sne.s32 s17, s9  }
.Ltmp3:
0xf8: {  	_ = 	snop;
	(pc) =	sbr.rel @p0 .LBB2_1-.Ltmp3, $3  }
0xf9: {  	_ =	sdelay $0x1  }
0xfa: {  	[sflag:s13] =	ssyncset.done $0x0  }
0xfb: {  	[sflag:s13] =	ssyncadd.s32 $0xFFFF3800  }
0xfc: {  	_ =	sfence.sel $0x180000  }
0xfd: {  	[bflag:$0x0] =	sbarrier.arrive $0xFFFF  }
0xfe: {  	_ =	strace $0x90000047  }
0xff: {  	s0 =	stileid.u32;
	[bflag:$0x2] =	sbarrier.arrive $0xFFFF  }
0x100: {  	p0 =	sne.s32 s0, $0x0;
	s0 =	rddreg [dreg:$0x3]  }
0x101: {  	s0 =	sadd.s32 @!p0 $0x100000, s0  }
0x102: {  	[sflag:s0] =	ssyncadd.tile.s32 @!p0 $0x1;
	_ =	shalt  }
.Lfunc_end2:
_tile_overlayer_lowered:
.L_overlay_start_2:
0x103: {  	(tag) =	ssettag $0x2  }
0x104: {  	s0 =	rddreg [dreg:$0x0];
	s2 =	stileid.u32  }
0x105: {  	s1 =	rddreg [dreg:$0x1];
	p0 =	sne.s32 s2, $0x0  }
0x106: {  	s3 =	rddreg [dreg:$0x2];
	[bflag:$0x3] =	sbarrier.arrive $0xFFFF;
	s2 =	simm.s32 @!p0 $0x1C07  }
0x107: {  	[timem:s3], [sflag:s2] =	dma.local @!p0 [hbm:s0], s1  }
0x108: {  	s0 =	simm.s32 @!p0 $0x7  }
0x109: {  	_ =	swait.ge @!p0 [sflag:s0], s1  }
0x10a: {  	s1 =	ssub.s32 @!p0 $0x0, s1;
	[sflag:s0] =	ssyncset.done @!p0 $0x0  }
0x10b: {  	[sflag:s0] =	ssyncadd.s32 @!p0 s1  }
0x10c: {  	[bflag:$0x3] =	sbarrier.arrive $0xFFFF  }
0x10d: {  	_ =	shalt  }

// kernel: sparse-core-data-format-call.cloned.1.call-start
scs
called_computation_lowered:
.L_overlay_start_0:
0x0: {  	s2 =	sld [smem:$0x3FD9]  }
0x1: {  	s3 =	sld [smem:$0x3FFE];
	_ =	sdelay $0x1  }
0x2: {  	s1 =	srdreg.scid  }
0x3: {  	s0 =	sand.u32 $0x1, s1  }
0x4: {  	s18 =	sshll.u32 s0, $0xA;
	s2 =	sadd.s32 s3, s2  }
0x5: {  	s2 =	sadd.s32 s2, s18  }
0x6: {  	[smem:$0x3FC5] =	sst s2  }
0x7: {  	_ = 	snop  }
0x8: {  	s2 =	sld [smem:$0x3FD0];
	(tm) =	ssettm $0x1  }
0x9: {  	s19 =	sld [smem:$0x3FFB];
	_ =	sdelay $0x3  }
0xa: {  	_ =	strace s19  }
0xb: {  	s3 =	sld [smem:$0x3FFC];
	_ =	sdelay $0x3  }
0xc: {  	_ =	strace s3  }
0xd: {  	s3 =	sld [smem:$0x3FFD];
	_ =	sdelay $0x3  }
0xe: {  	_ =	strace s3  }
0xf: {  	_ =	strace $0x8FFFFFFF  }
0x10: {  	s20 =	sld [smem:$0x3FDB];
	_ =	sdelay $0x1  }
0x11: {  	s4 =	simm.s32 $_scs_section_size  }
0x12: {  	s5 =	simm.s32 $_size__tile_overlayer_lowered;
	s6 =	simm.s32 $_tile_overlayer_lowered  }
0x13: {  	s23 =	simm.s32 $0x1BFF;
	s22 =	sshll.u32 s6, $0x1;
	s3 =	sadd.s32 s4, s20  }
0x14: {  	s7 =	simm.s32 $0x0;
	s21 =	sshll.u32 s5, $0x1;
	s5 =	sadd.s32 s22, s3  }
0x15: {  	[timem:s7], [sflag:s23] =	dma.local [hbm:s5], s21  }
0x16: {  	_ =	swait.ge [sflag:s23], s21  }
0x17: {  	s4 =	ssub.s32 $0x0, s21;
	[sflag:s23] =	ssyncset.done $0x0  }
0x18: {  	[sflag:s23] =	ssyncadd.s32 s4;
	_ =	sdelay $0x1  }
0x19: {  	s24 =	simm.s32 $0x1B8B  }
0x1a: {  	_ =	swait.ge [sflag:s24], $0x1  }
0x1b: {  	[sflag:s24] =	ssyncset.done $0x0  }
0x1c: {  	s26 =	simm.s32 $0x1B8E;
	s25 =	sld [smem:$0x3FFE];
	[sflag:s24] =	ssyncadd.s32 $0xFFFFFFFF  }
0x1d: {  	s27 =	simm.s32 $execute0_lowered;
	[smem:$0x3FD2] =	sst s26  }
0x1e: {  	s5 =	sshll.u32 s27, $0x1;
	_ =	strace $0x80000049;
	[dreg:$0x1] =	wrdreg $0xFFFFFFFF  }
0x1f: {  	s28 =	simm.s32 $_size_execute0_lowered;
	s3 =	sadd.s32 s3, s5;
	[dreg:$0x0] =	wrdreg $0x0  }
0x20: {  	s5 =	sshll.u32 s28, $0x1;
	[dreg:$0x2] =	wrdreg s3  }
0x21: {  	[dreg:$0x3] =	wrdreg s5  }
0x22: {  	[dreg:$0x4] =	wrdreg $0xC0  }
0x23: {  	_ =	task [dreg:s7], $0x5FFFF  }
0x24: {  	[dreg:$0x1] =	wrdreg $0xFFFFFFFF  }
0x25: {  	[dreg:$0x0] =	wrdreg $0x60  }
0x26: {  	[dreg:$0x2] =	wrdreg s25  }
0x27: {  	[dreg:$0x3] =	wrdreg s2  }
0x28: {  	[dreg:$0x4] =	wrdreg $0x9  }
0x29: {  	_ =	task.clear_ibuf [dreg:s7], $0x5FFFF;
	_ =	strace $0x90000049  }
0x2a: {  	s29 =	simm.s32 $0x9;
	_ =	strace $0x8000004B  }
0x2b: {  	_ =	swait.ge [sflag:s29], $0x1  }
0x2c: {  	[sflag:s29] =	ssyncadd.s32 $0xFFFFFFFF  }
0x2d: {  	_ =	strace $0x9000004B  }
0x2e: {  	_ =	sfence  }
0x2f: {  	s30 =	sld [smem:$0x0];
	_ =	sdelay $0x2  }
0x30: {  	s31 =	sshll.u32 s1, $0xD;
	s1 =	sshrl.u32 s1, $0x2  }
0x31: {  	s3 =	sand.u32 $0x4000, s31;
	s1 =	sadd.s32 s1, s30  }
0x32: {  	s0 =	sor.u32 s3, s0;
	s1 =	sshll.u32 s1, $0x11  }
0x33: {  	s0 =	sor.u32 s1, s0  }
0x34: {  	s0 =	sadd.s32 $0x8F2B, s0  }
0x35: {  	[sflag:s0] =	ssyncadd.remote.s32 $0x1  }
0x36: {  	_ =	sfence.sel $0xFFFF  }
0x37: {  	[dreg:$0x0] =	wrdreg $0xFFFFFFFF;
	(pc) =	sbr.abs _section_cstart, $3  }
0x38: {  	[dreg:$0x1] =	wrdreg $0xFFFFFFFF  }
0x39: {  	_ =	task.clear_ibuf [dreg:s7], $0x2FFFF;
	_ =	strace $0x9FFFFFFF  }
0x3a: {  	(tm) =	ssettm $0x7FFFFFFF  }
0x3b: {  	_ =	shalt  }
tec
execute0_lowered:
.L_overlay_start_1:
0x0: {  	(tag) =	ssettag $0x1  }
0x1: {  	s0 =	srdreg.scid  }
0x2: {  	s1 =	sshll.u32 s0, $0x4  }
0x3: {  	s0 =	stileid.u32;
	s1 =	sand.u32 $0x10, s1  }
0x4: {  	s1 =	sor.u32 s0, s1  }
0x5: {  	s6 =	rddreg [dreg:$0x0];
	s4 =	simm.s32 $0x1;
	s2 =	sshll.u32 s1, $0x7  }
0x6: {  	s7 =	simm.s32 $0x2;
	s12 =	simm.s32 $0x0;
	s1 =	ssub.s32 $0x1000, s2  }
0x7: {  	s8 =	simm.s32 $0x8000;
	s13 =	simm.s32 $0x0;
	s3 =	sand.u32 $0xF80, s1  }
0x8: {  	s9 =	simm.s32 $0x0;
	s5 =	sshrl.u32 s1, $0xC;
	p0 =	sne.s32 s3, $0x0  }
.Ltmp0:
0x9: {  	s1 =	rddreg [dreg:$0x2];
	s4 =	simm.s32 @!p0 $0x0;
	(pc) =	sbr.rel .LBB1_1-.Ltmp0, $4  }
0xa: {  	s11 =	simm.s32 $0x0;
	s3 =	rddreg [dreg:$0x1];
	s5 =	sadd.s32 s4, s5  }
0xb: {  	_ =	strace $0x8000004A;
	s4 =	simm.s32 $0x1;
	s5 =	smul.u32 $0xC8, s5  }
0xc: {  	s6 =	sadd.s32 $0x1000, s6;
	s10 =	smov.u32 s2;
	[sflag:s4] =	ssyncpa.u1 $0x0  }
0xd: {  	p0 =	por $0x0, $0x0;
	[sflag:s7] =	ssyncpa.u1 $0x0;
	s7 =	sor.u32 $0x1, s5  }
.LBB1_4:
0xe: {  	s16 =	sshll.u32 s13, $0x3;
	s17 =	sand.u32 $0x78, s13  }
0xf: {  	s30 =	sand.u32 $0x7E00, s13;
	s12 =	sshll.u32 s12, $0xF;
	s16 =	sand.u32 $0xC00, s16  }
0x10: {  	[tilespmem:s15+$0x810 ss:$0x81] =	vst.msk $0xffff, v2;
	s31 =	sand.u32 $0x7, s13;
	s16 =	sor.u32 s17, s16;
	s17 =	sadd.s32 s3, s30  }
0x11: {  	[tilespmem:s15+$0x1020 ss:$0x81] =	vst.msk $0xffff, v0;
	s13 =	sshll.u32 s31, $0x12;
	s12 =	sadd.s32 s12, s17;
	s16 =	sshrl.u32 s16, $0x3  }
0x12: {  	[tilespmem:s15+$0x0 ss:$0x81] =	vst.msk $0xffff, v1;
	s13 =	sor.u32 $0x400, s13;
	s12 =	sadd.s32 s16, s12  }
0x13: {  	[hbm4b:s12+s13] =	stream.strided.scatter [tilespmem:s14], [sflag:$0x2], $0x2000, s8, s13, $0x20;
	[tilespmem:$0x8080] =	vst v63  }
.LBB1_5:
0x14: {  	s14 =	sadd.s32 $0x1, s9  }
0x15: {  	s12 =	sadd.s32 $0x1000, s10;
	s16 =	smov.u32 s10;
	p2 =	sgt.s32 s14, $0xC7  }
0x16: {  	s16 =	smov.u32 @p2 s12  }
0x17: {  	s14 =	simm.s32 @p2 $0x0;
	p2 =	sgt.s32 s16, $0xFFF  }
0x18: {  	s16 =	smov.u32 @p2 s2;
	p2 =	sne.s32 s11, s7  }
.Ltmp1:
0x19: {  	p1 =	slt.u32 s11, $0x2;
	(pc) =	sbr.rel @!p2 .LBB1_6-.Ltmp1, $4  }
0x1a: {  	s15 =	simm.s32 @!p1 $0x2  }
0x1b: {  	s13 =	smov.u32 s10;
	p0 =	por !p0, !p0;
	_ =	swait.ge @!p1 [sflag:s15], $0x2000  }
0x1c: {  	s12 =	smov.u32 s9;
	[sflag:s15] =	ssyncset.done @!p1 $0x0;
	s9 =	smov.u32 s14  }
0x1d: {  	s11 =	sadd.s32 $0x1, s11;
	[sflag:s15] =	ssyncadd.s32 @!p1 $0xFFFFE000;
	s10 =	smov.u32 s16  }
.LBB1_1:
0x1e: {  	p1 =	sge.u32 s11, s5  }
0x1f: {  	s14 =	sand.u32 @!p1 $0x1FFFFFF, s9  }
0x20: {  	s15 =	smulhi.u32 @!p1 $0x147AE15, s14;
	_ =	sdelay $0x1  }
0x21: {  	s15 =	smul.u32 @!p1 $0xC8, s15  }
0x22: {  	s16 =	sxor.u32 @!p1 $0xFFFFFFFF, s11;
	s17 =	smul.u32 @!p1 $0xC80, s10  }
0x23: {  	s31 =	sadd.s32 $0xFFFFFFFF, s11;
	s16 =	sshll.u32 @!p1 s16, $0xD;
	s14 =	ssub.s32 @!p1 s14, s15  }
0x24: {  	s15 =	sand.u32 @!p1 $0x2000, s16;
	s16 =	sadd.s32 @!p1 s6, s17;
	s14 =	sshll.u32 @!p1 s14, $0x4  }
0x25: {  	s17 =	simm.s32 @!p1 $0x6400;
	s14 =	sadd.s32 @!p1 s14, s16;
	s16 =	simm.s32 @!p1 $0x40  }
0x26: {  	[tilespmem:s15], [sflag:$0x1] =	stream.strided.gather @!p1 [hbm4b:s14+s16], $0x2000, s17, s16, $0x38;
	[tilespmem:$0x8080] =	vst v63  }
0x27: {  	p1 =	sge.u32 s31, s5  }
.Ltmp2:
0x28: {  	_ = 	snop;
	(pc) =	sbr.rel @p1 .LBB1_5-.Ltmp2, $1  }
0x29: {  	_ =	sdelay $0x3  }
0x2a: {  	s14 =	simm.s32 $0x1  }
0x2b: {  	_ =	swait.ge [sflag:s4], $0x2000;
	s14 =	simm.s32 @!p0 $0x0  }
0x2c: {  	[sflag:s4] =	ssyncset.done $0x0;
	s15 =	sshll.u32 s14, $0xD  }
0x2d: {  	[sflag:s4] =	ssyncadd.s32 $0xFFFFE000;
	s18 =	sor.u32 $0x20, s15  }
0x2e: {  	s14 =	smul.u32 $0x8100, s14;
	v3 =	vld [tilespmem:s18+$0x10]  }
0x2f: {  	s30 =	sand.u32 $0x1, s11;
	v2 =	vld [tilespmem:s18+$0xFFFFFFF0]  }
0x30: {  	s15 =	smul.u32 $0x8100, s30;
	s14 =	sshrl.u32 s14, $0x2;
	v0 =	vld [tilespmem:s18+$0x0]  }
0x31: {  	v1 =	vld [tilespmem:s18+$0xFFFFFFE0];
	s16 =	sor.u32 $0x4000, s14  }
0x32: {  	s31 =	sshrl.u32 s15, $0x2;
	s15 =	sadd.s32 $0x0, s16  }
0x33: {  	s17 =	simm.s32 $0x4;
	s18 =	sadd.s32 $0x40, s18;
	s14 =	sor.u32 $0x4000, s31;
	[tilespmem:s15+$0x1830 ss:$0x81] =	vst.msk $0xffff, v3  }
.LBB1_3:
0x34: {  	v3 =	vld [tilespmem:s18+$0x10];
	p1 =	sne.s32 s17, $0x1FC;
	[tilespmem:s15+$0x810 ss:$0x81] =	vst.msk $0xffff, v2;
	s19 =	smov.u32 s17;
	s17 =	sadd.s32 $0x4, s17  }
.Ltmp3:
0x35: {  	v2 =	vld [tilespmem:s18+$0xFFFFFFF0];
	[tilespmem:s15+$0x1020 ss:$0x81] =	vst.msk $0xffff, v0;
	(pc) =	sbr.rel @p1 .LBB1_3-.Ltmp3, $4  }
0x36: {  	v0 =	vld [tilespmem:s18+$0x0];
	[tilespmem:s15+$0x0 ss:$0x81] =	vst.msk $0xffff, v1  }
0x37: {  	s15 =	sshra.s32 s19, $0x2;
	v1 =	vld [tilespmem:s18+$0xFFFFFFE0]  }
0x38: {  	s15 =	sadd.s32 s15, s16  }
0x39: {  	s18 =	sadd.s32 $0x40, s18;
	[tilespmem:s15+$0x1830 ss:$0x81] =	vst.msk $0xffff, v3  }
.Ltmp4:
0x3a: {  	_ = 	snop;
	(pc) =	sbr.rel .LBB1_4-.Ltmp4, $1  }
0x3b: {  	_ =	sdelay $0x3  }
.LBB1_6:
0x3c: {  	_ =	sfence.sel $0x180000  }
0x3d: {  	s2 =	simm.s32 $0x1;
	[bflag:$0x0] =	sbarrier.arrive $0xFFFF  }
0x3e: {  	s31 =	simm.s32 $0x2;
	[sflag:s2] =	ssyncpa.u1 $0x1  }
0x3f: {  	[sflag:s31] =	ssyncpa.u1 $0x1  }
0x40: {  	p0 =	sne.s32 s0, $0x0;
	_ =	strace $0x9000004A  }
0x41: {  	s0 =	sadd.s32 @!p0 $0x100000, s1;
	[bflag:$0x2] =	sbarrier.arrive $0xFFFF  }
0x42: {  	[sflag:s0] =	ssyncadd.tile.s32 @!p0 $0x1;
	_ =	shalt  }
.Lfunc_end1:
_tile_overlayer_lowered:
.L_overlay_start_2:
0x43: {  	(tag) =	ssettag $0x2  }
0x44: {  	s0 =	rddreg [dreg:$0x0];
	s2 =	stileid.u32  }
0x45: {  	s1 =	rddreg [dreg:$0x1];
	p0 =	sne.s32 s2, $0x0  }
0x46: {  	s3 =	rddreg [dreg:$0x2];
	[bflag:$0x3] =	sbarrier.arrive $0xFFFF;
	s2 =	simm.s32 @!p0 $0x1C01  }
0x47: {  	[timem:s3], [sflag:s2] =	dma.local @!p0 [hbm:s0], s1  }
0x48: {  	s0 =	simm.s32 @!p0 $0x1  }
0x49: {  	_ =	swait.ge @!p0 [sflag:s0], s1  }
0x4a: {  	s1 =	ssub.s32 @!p0 $0x0, s1;
	[sflag:s0] =	ssyncset.done @!p0 $0x0  }
0x4b: {  	[sflag:s0] =	ssyncadd.s32 @!p0 s1  }
0x4c: {  	[bflag:$0x3] =	sbarrier.arrive $0xFFFF  }
0x4d: {  	_ =	shalt  }

</sc_bundles>
